<compile_context>
chip_gen: v7x
topology: tpu7x:2x2x1
jax: 0.10.2.dev20260603
libtpu: 0.0.44.dev20260713+nightly
codegen_flags: <defaults>
</compile_context>

<pallas_src>
import jax
import jax.numpy as jnp
from jax import lax
from jax.experimental import pallas as pl
from jax.experimental.pallas import tpu as pltpu
from jax.experimental.pallas import tpu_sc as plsc

_SIZE_IN = 17
_B = 1024
_L = 16
_IDX_PAD = 144
_CHUNKS = _B // _L


def _scale_row_out(row_v, out_v, out_hbm, slot):
    for j in range(_CHUNKS):
        val = row_v[0, pl.ds(j * _L, _L)]
        out_v[pl.ds(j * _L, _L)] = val * 12.0 - 6.0
    pltpu.sync_copy(out_v, out_hbm.at[pl.ds(slot * _B, _B)])


def _body(tbl_hbm, out_hbm, idx_v, row_v, out_v, sem):
    wid = lax.axis_index("s")
    iota = lax.iota(jnp.int32, _L)
    for i in range(_IDX_PAD // _L):
        lo = 1 << (2 * i)
        hi = (1 << (2 * i + 1)) if 2 * i + 1 < _SIZE_IN else 0
        idx_v[pl.ds(i * _L, _L)] = jnp.where(
            iota == 0, lo, jnp.where(iota == 8, hi, 0)
        )
    pltpu.async_copy(
        tbl_hbm.at[idx_v.at[pl.ds(wid * 8, 1)]], row_v, sem
    ).wait()
    _scale_row_out(row_v, out_v, out_hbm, wid)

    @pl.when(wid == 0)
    def _():
        pltpu.async_copy(
            tbl_hbm.at[idx_v.at[pl.ds(8 * (_SIZE_IN - 1), 1)]], row_v, sem
        ).wait()
        _scale_row_out(row_v, out_v, out_hbm, _SIZE_IN - 1)


def kernel(input_var):
    tbl = input_var.T
    mesh = plsc.VectorSubcoreMesh(
        core_axis_name="c", subcore_axis_name="s", num_cores=1
    )
    out_flat = pl.kernel(
        _body,
        out_type=jax.ShapeDtypeStruct((_SIZE_IN * _B,), jnp.float32),
        mesh=mesh,
        compiler_params=pltpu.CompilerParams(needs_layout_passes=False),
        scratch_types=[
            pltpu.VMEM((_IDX_PAD,), jnp.int32),
            pltpu.VMEM((1, _B), jnp.float32),
            pltpu.VMEM((_B,), jnp.float32),
            pltpu.SemaphoreType.DMA,
        ],
    )(tbl)
    return out_flat.reshape(_SIZE_IN, _B).T

# --- scband reference (transcript-rebuilt; emitter-appended) ---
"""Pipeline reference for scband-probs-to-unary-layer-25958782337871 (READ-ONLY COPY).

The authoritative reference and input builder live on the scoring server;
editing this copy changes nothing except your own understanding.
"""

import jax, jax.numpy as jnp
import numpy as np

SIZE_IN = 17

def setup_inputs(seed: int = 0) -> dict:
    key = jax.random.key(seed)
    input_var = jax.random.normal(key, (1024, 100000), dtype=jnp.float32)
    return {"input_var": input_var}

def reference(input_var):
    filt = jnp.array([2 ** i for i in range(SIZE_IN)], dtype=jnp.int32)
    gathered = jnp.take(input_var, filt, axis=1)
    return gathered * 12 - 6

if __name__ == "__main__":
    import jax
    _d = setup_inputs()
    print(jax.jit(kernel)(*tuple(_d.values())))

</pallas_src>

<mosaic_0001>
#map = affine_map<(d0, d1) -> (0, 0)>
#map1 = affine_map<(d0, d1) -> (0)>
module attributes {stable_mosaic.version = 14 : i64} {
  func.func @_body(%arg0: i32, %arg1: i32, %arg2: memref<100000x1024xf32, #tpu.memory_space<hbm>>, %arg3: memref<17408xf32, #tpu.memory_space<hbm>>, %arg4: memref<144xi32, #tpu.memory_space<vmem>>, %arg5: memref<1x1024xf32, #tpu.memory_space<vmem>>, %arg6: memref<1024xf32, #tpu.memory_space<vmem>>, %arg7: memref<!tpu.dma_semaphore, #tpu.memory_space<semaphore_mem>>) attributes {dimension_semantics = [#tpu.dimension_semantics<core_parallel>, #tpu.dimension_semantics<subcore_parallel>], iteration_bounds = array<i64: 1, 16>, scalar_prefetch = 0 : i64, scratch_operands = 4 : i64, tpu.core_type = #tpu.core_type<sc_vector_subcore>, window_params = [{transform_indices = #map}, {transform_indices = #map1}]} {
    %iota3A = tpu.iota {dimensions = array<i32: 0>} : vector<16xi32>
    %eq3A = arith.constant 0 : i32
    %eq3A_0 = vector.broadcast %eq3A : i32 to vector<16xi32>
    %eq3A_1 = arith.cmpi eq, %iota3A, %eq3A_0 : vector<16xi32>
    %eq3A_2 = arith.constant 8 : i32
    %eq3A_3 = vector.broadcast %eq3A_2 : i32 to vector<16xi32>
    %eq3A_4 = arith.cmpi eq, %iota3A, %eq3A_3 : vector<16xi32>
    %jit3A = arith.constant 2 : i32
    %jit3A_5 = arith.constant 0 : i32
    %broadcast_in_dim3A = vector.broadcast %jit3A : i32 to vector<16xi32>
    %broadcast_in_dim3A_6 = vector.broadcast %jit3A_5 : i32 to vector<16xi32>
    %select_n3A = arith.select %eq3A_4, %broadcast_in_dim3A, %broadcast_in_dim3A_6 : vector<16xi1>, vector<16xi32>
    %jit3A_7 = arith.constant 1 : i32
    %broadcast_in_dim3A_8 = vector.broadcast %jit3A_7 : i32 to vector<16xi32>
    %select_n3A_9 = arith.select %eq3A_1, %broadcast_in_dim3A_8, %select_n3A : vector<16xi1>, vector<16xi32>
    %swap3A = arith.constant 0 : index
    %swap3A_10 = tpu.vector_load %arg4[%swap3A] {strides = array<i32>} : memref<144xi32, #tpu.memory_space<vmem>>, vector<16xi32>,
    tpu.vector_store %arg4[%swap3A], %select_n3A_9 {strides = array<i32>} : memref<144xi32, #tpu.memory_space<vmem>>, vector<16xi32>,
    %eq3A_11 = arith.constant 0 : i32
    %eq3A_12 = vector.broadcast %eq3A_11 : i32 to vector<16xi32>
    %eq3A_13 = arith.cmpi eq, %iota3A, %eq3A_12 : vector<16xi32>
    %eq3A_14 = arith.constant 8 : i32
    %eq3A_15 = vector.broadcast %eq3A_14 : i32 to vector<16xi32>
    %eq3A_16 = arith.cmpi eq, %iota3A, %eq3A_15 : vector<16xi32>
    %jit3A_17 = arith.constant 8 : i32
    %jit3A_18 = arith.constant 0 : i32
    %broadcast_in_dim3A_19 = vector.broadcast %jit3A_17 : i32 to vector<16xi32>
    %broadcast_in_dim3A_20 = vector.broadcast %jit3A_18 : i32 to vector<16xi32>
    %select_n3A_21 = arith.select %eq3A_16, %broadcast_in_dim3A_19, %broadcast_in_dim3A_20 : vector<16xi1>, vector<16xi32>
    %jit3A_22 = arith.constant 4 : i32
    %broadcast_in_dim3A_23 = vector.broadcast %jit3A_22 : i32 to vector<16xi32>
    %select_n3A_24 = arith.select %eq3A_13, %broadcast_in_dim3A_23, %select_n3A_21 : vector<16xi1>, vector<16xi32>
    %swap3A_25 = arith.constant 16 : index
    %swap3A_26 = tpu.vector_load %arg4[%swap3A_25] {strides = array<i32>} : memref<144xi32, #tpu.memory_space<vmem>>, vector<16xi32>,
    tpu.vector_store %arg4[%swap3A_25], %select_n3A_24 {strides = array<i32>} : memref<144xi32, #tpu.memory_space<vmem>>, vector<16xi32>,
    %eq3A_27 = arith.constant 0 : i32
    %eq3A_28 = vector.broadcast %eq3A_27 : i32 to vector<16xi32>
    %eq3A_29 = arith.cmpi eq, %iota3A, %eq3A_28 : vector<16xi32>
    %eq3A_30 = arith.constant 8 : i32
    %eq3A_31 = vector.broadcast %eq3A_30 : i32 to vector<16xi32>
    %eq3A_32 = arith.cmpi eq, %iota3A, %eq3A_31 : vector<16xi32>
    %jit3A_33 = arith.constant 32 : i32
    %jit3A_34 = arith.constant 0 : i32
    %broadcast_in_dim3A_35 = vector.broadcast %jit3A_33 : i32 to vector<16xi32>
    %broadcast_in_dim3A_36 = vector.broadcast %jit3A_34 : i32 to vector<16xi32>
    %select_n3A_37 = arith.select %eq3A_32, %broadcast_in_dim3A_35, %broadcast_in_dim3A_36 : vector<16xi1>, vector<16xi32>
    %jit3A_38 = arith.constant 16 : i32
    %broadcast_in_dim3A_39 = vector.broadcast %jit3A_38 : i32 to vector<16xi32>
    %select_n3A_40 = arith.select %eq3A_29, %broadcast_in_dim3A_39, %select_n3A_37 : vector<16xi1>, vector<16xi32>
    %swap3A_41 = arith.constant 32 : index
    %swap3A_42 = tpu.vector_load %arg4[%swap3A_41] {strides = array<i32>} : memref<144xi32, #tpu.memory_space<vmem>>, vector<16xi32>,
    tpu.vector_store %arg4[%swap3A_41], %select_n3A_40 {strides = array<i32>} : memref<144xi32, #tpu.memory_space<vmem>>, vector<16xi32>,
    %eq3A_43 = arith.constant 0 : i32
    %eq3A_44 = vector.broadcast %eq3A_43 : i32 to vector<16xi32>
    %eq3A_45 = arith.cmpi eq, %iota3A, %eq3A_44 : vector<16xi32>
    %eq3A_46 = arith.constant 8 : i32
    %eq3A_47 = vector.broadcast %eq3A_46 : i32 to vector<16xi32>
    %eq3A_48 = arith.cmpi eq, %iota3A, %eq3A_47 : vector<16xi32>
    %jit3A_49 = arith.constant 128 : i32
    %jit3A_50 = arith.constant 0 : i32
    %broadcast_in_dim3A_51 = vector.broadcast %jit3A_49 : i32 to vector<16xi32>
    %broadcast_in_dim3A_52 = vector.broadcast %jit3A_50 : i32 to vector<16xi32>
    %select_n3A_53 = arith.select %eq3A_48, %broadcast_in_dim3A_51, %broadcast_in_dim3A_52 : vector<16xi1>, vector<16xi32>
    %jit3A_54 = arith.constant 64 : i32
    %broadcast_in_dim3A_55 = vector.broadcast %jit3A_54 : i32 to vector<16xi32>
    %select_n3A_56 = arith.select %eq3A_45, %broadcast_in_dim3A_55, %select_n3A_53 : vector<16xi1>, vector<16xi32>
    %swap3A_57 = arith.constant 48 : index
    %swap3A_58 = tpu.vector_load %arg4[%swap3A_57] {strides = array<i32>} : memref<144xi32, #tpu.memory_space<vmem>>, vector<16xi32>,
    tpu.vector_store %arg4[%swap3A_57], %select_n3A_56 {strides = array<i32>} : memref<144xi32, #tpu.memory_space<vmem>>, vector<16xi32>,
    %eq3A_59 = arith.constant 0 : i32
    %eq3A_60 = vector.broadcast %eq3A_59 : i32 to vector<16xi32>
    %eq3A_61 = arith.cmpi eq, %iota3A, %eq3A_60 : vector<16xi32>
    %eq3A_62 = arith.constant 8 : i32
    %eq3A_63 = vector.broadcast %eq3A_62 : i32 to vector<16xi32>
    %eq3A_64 = arith.cmpi eq, %iota3A, %eq3A_63 : vector<16xi32>
    %jit3A_65 = arith.constant 512 : i32
    %jit3A_66 = arith.constant 0 : i32
    %broadcast_in_dim3A_67 = vector.broadcast %jit3A_65 : i32 to vector<16xi32>
    %broadcast_in_dim3A_68 = vector.broadcast %jit3A_66 : i32 to vector<16xi32>
    %select_n3A_69 = arith.select %eq3A_64, %broadcast_in_dim3A_67, %broadcast_in_dim3A_68 : vector<16xi1>, vector<16xi32>
    %jit3A_70 = arith.constant 256 : i32
    %broadcast_in_dim3A_71 = vector.broadcast %jit3A_70 : i32 to vector<16xi32>
    %select_n3A_72 = arith.select %eq3A_61, %broadcast_in_dim3A_71, %select_n3A_69 : vector<16xi1>, vector<16xi32>
    %swap3A_73 = arith.constant 64 : index
    %swap3A_74 = tpu.vector_load %arg4[%swap3A_73] {strides = array<i32>} : memref<144xi32, #tpu.memory_space<vmem>>, vector<16xi32>,
    tpu.vector_store %arg4[%swap3A_73], %select_n3A_72 {strides = array<i32>} : memref<144xi32, #tpu.memory_space<vmem>>, vector<16xi32>,
    %eq3A_75 = arith.constant 0 : i32
    %eq3A_76 = vector.broadcast %eq3A_75 : i32 to vector<16xi32>
    %eq3A_77 = arith.cmpi eq, %iota3A, %eq3A_76 : vector<16xi32>
    %eq3A_78 = arith.constant 8 : i32
    %eq3A_79 = vector.broadcast %eq3A_78 : i32 to vector<16xi32>
    %eq3A_80 = arith.cmpi eq, %iota3A, %eq3A_79 : vector<16xi32>
    %jit3A_81 = arith.constant 2048 : i32
    %jit3A_82 = arith.constant 0 : i32
    %broadcast_in_dim3A_83 = vector.broadcast %jit3A_81 : i32 to vector<16xi32>
    %broadcast_in_dim3A_84 = vector.broadcast %jit3A_82 : i32 to vector<16xi32>
    %select_n3A_85 = arith.select %eq3A_80, %broadcast_in_dim3A_83, %broadcast_in_dim3A_84 : vector<16xi1>, vector<16xi32>
    %jit3A_86 = arith.constant 1024 : i32
    %broadcast_in_dim3A_87 = vector.broadcast %jit3A_86 : i32 to vector<16xi32>
    %select_n3A_88 = arith.select %eq3A_77, %broadcast_in_dim3A_87, %select_n3A_85 : vector<16xi1>, vector<16xi32>
    %swap3A_89 = arith.constant 80 : index
    %swap3A_90 = tpu.vector_load %arg4[%swap3A_89] {strides = array<i32>} : memref<144xi32, #tpu.memory_space<vmem>>, vector<16xi32>,
    tpu.vector_store %arg4[%swap3A_89], %select_n3A_88 {strides = array<i32>} : memref<144xi32, #tpu.memory_space<vmem>>, vector<16xi32>,
    %eq3A_91 = arith.constant 0 : i32
    %eq3A_92 = vector.broadcast %eq3A_91 : i32 to vector<16xi32>
    %eq3A_93 = arith.cmpi eq, %iota3A, %eq3A_92 : vector<16xi32>
    %eq3A_94 = arith.constant 8 : i32
    %eq3A_95 = vector.broadcast %eq3A_94 : i32 to vector<16xi32>
    %eq3A_96 = arith.cmpi eq, %iota3A, %eq3A_95 : vector<16xi32>
    %jit3A_97 = arith.constant 8192 : i32
    %jit3A_98 = arith.constant 0 : i32
    %broadcast_in_dim3A_99 = vector.broadcast %jit3A_97 : i32 to vector<16xi32>
    %broadcast_in_dim3A_100 = vector.broadcast %jit3A_98 : i32 to vector<16xi32>
    %select_n3A_101 = arith.select %eq3A_96, %broadcast_in_dim3A_99, %broadcast_in_dim3A_100 : vector<16xi1>, vector<16xi32>
    %jit3A_102 = arith.constant 4096 : i32
    %broadcast_in_dim3A_103 = vector.broadcast %jit3A_102 : i32 to vector<16xi32>
    %select_n3A_104 = arith.select %eq3A_93, %broadcast_in_dim3A_103, %select_n3A_101 : vector<16xi1>, vector<16xi32>
    %swap3A_105 = arith.constant 96 : index
    %swap3A_106 = tpu.vector_load %arg4[%swap3A_105] {strides = array<i32>} : memref<144xi32, #tpu.memory_space<vmem>>, vector<16xi32>,
    tpu.vector_store %arg4[%swap3A_105], %select_n3A_104 {strides = array<i32>} : memref<144xi32, #tpu.memory_space<vmem>>, vector<16xi32>,
    %eq3A_107 = arith.constant 0 : i32
    %eq3A_108 = vector.broadcast %eq3A_107 : i32 to vector<16xi32>
    %eq3A_109 = arith.cmpi eq, %iota3A, %eq3A_108 : vector<16xi32>
    %eq3A_110 = arith.constant 8 : i32
    %eq3A_111 = vector.broadcast %eq3A_110 : i32 to vector<16xi32>
    %eq3A_112 = arith.cmpi eq, %iota3A, %eq3A_111 : vector<16xi32>
    %jit3A_113 = arith.constant 32768 : i32
    %jit3A_114 = arith.constant 0 : i32
    %broadcast_in_dim3A_115 = vector.broadcast %jit3A_113 : i32 to vector<16xi32>
    %broadcast_in_dim3A_116 = vector.broadcast %jit3A_114 : i32 to vector<16xi32>
    %select_n3A_117 = arith.select %eq3A_112, %broadcast_in_dim3A_115, %broadcast_in_dim3A_116 : vector<16xi1>, vector<16xi32>
    %jit3A_118 = arith.constant 16384 : i32
    %broadcast_in_dim3A_119 = vector.broadcast %jit3A_118 : i32 to vector<16xi32>
    %select_n3A_120 = arith.select %eq3A_109, %broadcast_in_dim3A_119, %select_n3A_117 : vector<16xi1>, vector<16xi32>
    %swap3A_121 = arith.constant 112 : index
    %swap3A_122 = tpu.vector_load %arg4[%swap3A_121] {strides = array<i32>} : memref<144xi32, #tpu.memory_space<vmem>>, vector<16xi32>,
    tpu.vector_store %arg4[%swap3A_121], %select_n3A_120 {strides = array<i32>} : memref<144xi32, #tpu.memory_space<vmem>>, vector<16xi32>,
    %eq3A_123 = arith.constant 0 : i32
    %eq3A_124 = vector.broadcast %eq3A_123 : i32 to vector<16xi32>
    %eq3A_125 = arith.cmpi eq, %iota3A, %eq3A_124 : vector<16xi32>
    %eq3A_126 = arith.constant 8 : i32
    %eq3A_127 = vector.broadcast %eq3A_126 : i32 to vector<16xi32>
    %eq3A_128 = arith.cmpi eq, %iota3A, %eq3A_127 : vector<16xi32>
    %jit3A_129 = arith.constant 0 : i32
    %jit3A_130 = arith.constant 0 : i32
    %broadcast_in_dim3A_131 = vector.broadcast %jit3A_129 : i32 to vector<16xi32>
    %broadcast_in_dim3A_132 = vector.broadcast %jit3A_130 : i32 to vector<16xi32>
    %select_n3A_133 = arith.select %eq3A_128, %broadcast_in_dim3A_131, %broadcast_in_dim3A_132 : vector<16xi1>, vector<16xi32>
    %jit3A_134 = arith.constant 65536 : i32
    %broadcast_in_dim3A_135 = vector.broadcast %jit3A_134 : i32 to vector<16xi32>
    %select_n3A_136 = arith.select %eq3A_125, %broadcast_in_dim3A_135, %select_n3A_133 : vector<16xi1>, vector<16xi32>
    %swap3A_137 = arith.constant 128 : index
    %swap3A_138 = tpu.vector_load %arg4[%swap3A_137] {strides = array<i32>} : memref<144xi32, #tpu.memory_space<vmem>>, vector<16xi32>,
    tpu.vector_store %arg4[%swap3A_137], %select_n3A_136 {strides = array<i32>} : memref<144xi32, #tpu.memory_space<vmem>>, vector<16xi32>,
    %mul3A = arith.constant 8 : i32
    %mul3A_139 = arith.muli %arg1, %mul3A : i32
    %dma_start3A = tpu.memref_slice %arg4[%mul3A_139] : memref<144xi32, #tpu.memory_space<vmem>> -> memref<1xi32, #tpu.memory_space<vmem>>
    %dma_start3A_140 = arith.constant 0 : i32
    %dma_start3A_141 = arith.constant 0 : i32
    %dma_start3A_142 = tpu.memref_slice %arg2[%dma_start3A_140, %dma_start3A_141] : memref<100000x1024xf32, #tpu.memory_space<hbm>> -> memref<100000x1024xf32, #tpu.memory_space<hbm>>
    tpu.enqueue_indirect_dma source(%dma_start3A_142 : memref<100000x1024xf32, #tpu.memory_space<hbm>>) target(%arg5 : memref<1x1024xf32, #tpu.memory_space<vmem>>) offsets(%dma_start3A : memref<1xi32, #tpu.memory_space<vmem>>) semaphore(%arg7 : memref<!tpu.dma_semaphore, #tpu.memory_space<semaphore_mem>>)
    %dma_wait3A = tpu.memref_slice %arg4[%mul3A_139] : memref<144xi32, #tpu.memory_space<vmem>> -> memref<1xi32, #tpu.memory_space<vmem>>
    %dma_wait3A_143 = arith.constant 0 : i32
    %dma_wait3A_144 = arith.constant 0 : i32
    %dma_wait3A_145 = tpu.memref_slice %arg2[%dma_wait3A_143, %dma_wait3A_144] : memref<100000x1024xf32, #tpu.memory_space<hbm>> -> memref<100000x1024xf32, #tpu.memory_space<hbm>>
    tpu.wait_indirect_dma semaphore(%arg7 : memref<!tpu.dma_semaphore, #tpu.memory_space<semaphore_mem>>) src(%dma_wait3A_145 : memref<100000x1024xf32, #tpu.memory_space<hbm>>) dst(%arg5 : memref<1x1024xf32, #tpu.memory_space<vmem>>)
    %get3A = arith.constant 0 : i32
    %get3A_146 = arith.index_cast %get3A : i32 to index
    %get3A_147 = arith.constant 0 : index
    %get3A_148 = tpu.vector_load %arg5[%get3A_146, %get3A_147] {strides = array<i32>} : memref<1x1024xf32, #tpu.memory_space<vmem>>, vector<16xf32>,
    %mul3A_149 = arith.constant 1.200000e+01 : f32
    %mul3A_150 = vector.broadcast %mul3A_149 : f32 to vector<16xf32>
    %mul3A_151 = arith.mulf %get3A_148, %mul3A_150 : vector<16xf32>
    %sub3A = arith.constant 6.000000e+00 : f32
    %sub3A_152 = vector.broadcast %sub3A : f32 to vector<16xf32>
    %sub3A_153 = arith.subf %mul3A_151, %sub3A_152 : vector<16xf32>
    %swap3A_154 = arith.constant 0 : index
    %swap3A_155 = tpu.vector_load %arg6[%swap3A_154] {strides = array<i32>} : memref<1024xf32, #tpu.memory_space<vmem>>, vector<16xf32>,
    tpu.vector_store %arg6[%swap3A_154], %sub3A_153 {strides = array<i32>} : memref<1024xf32, #tpu.memory_space<vmem>>, vector<16xf32>,
    %get3A_156 = arith.constant 0 : i32
    %get3A_157 = arith.index_cast %get3A_156 : i32 to index
    %get3A_158 = arith.constant 16 : index
    %get3A_159 = tpu.vector_load %arg5[%get3A_157, %get3A_158] {strides = array<i32>} : memref<1x1024xf32, #tpu.memory_space<vmem>>, vector<16xf32>,
    %mul3A_160 = arith.constant 1.200000e+01 : f32
    %mul3A_161 = vector.broadcast %mul3A_160 : f32 to vector<16xf32>
    %mul3A_162 = arith.mulf %get3A_159, %mul3A_161 : vector<16xf32>
    %sub3A_163 = arith.constant 6.000000e+00 : f32
    %sub3A_164 = vector.broadcast %sub3A_163 : f32 to vector<16xf32>
    %sub3A_165 = arith.subf %mul3A_162, %sub3A_164 : vector<16xf32>
    %swap3A_166 = arith.constant 16 : index
    %swap3A_167 = tpu.vector_load %arg6[%swap3A_166] {strides = array<i32>} : memref<1024xf32, #tpu.memory_space<vmem>>, vector<16xf32>,
    tpu.vector_store %arg6[%swap3A_166], %sub3A_165 {strides = array<i32>} : memref<1024xf32, #tpu.memory_space<vmem>>, vector<16xf32>,
    %get3A_168 = arith.constant 0 : i32
    %get3A_169 = arith.index_cast %get3A_168 : i32 to index
    %get3A_170 = arith.constant 32 : index
    %get3A_171 = tpu.vector_load %arg5[%get3A_169, %get3A_170] {strides = array<i32>} : memref<1x1024xf32, #tpu.memory_space<vmem>>, vector<16xf32>,
    %mul3A_172 = arith.constant 1.200000e+01 : f32
    %mul3A_173 = vector.broadcast %mul3A_172 : f32 to vector<16xf32>
    %mul3A_174 = arith.mulf %get3A_171, %mul3A_173 : vector<16xf32>
    %sub3A_175 = arith.constant 6.000000e+00 : f32
    %sub3A_176 = vector.broadcast %sub3A_175 : f32 to vector<16xf32>
    %sub3A_177 = arith.subf %mul3A_174, %sub3A_176 : vector<16xf32>
    %swap3A_178 = arith.constant 32 : index
    %swap3A_179 = tpu.vector_load %arg6[%swap3A_178] {strides = array<i32>} : memref<1024xf32, #tpu.memory_space<vmem>>, vector<16xf32>,
    tpu.vector_store %arg6[%swap3A_178], %sub3A_177 {strides = array<i32>} : memref<1024xf32, #tpu.memory_space<vmem>>, vector<16xf32>,
    %get3A_180 = arith.constant 0 : i32
    %get3A_181 = arith.index_cast %get3A_180 : i32 to index
    %get3A_182 = arith.constant 48 : index
    %get3A_183 = tpu.vector_load %arg5[%get3A_181, %get3A_182] {strides = array<i32>} : memref<1x1024xf32, #tpu.memory_space<vmem>>, vector<16xf32>,
    %mul3A_184 = arith.constant 1.200000e+01 : f32
    %mul3A_185 = vector.broadcast %mul3A_184 : f32 to vector<16xf32>
    %mul3A_186 = arith.mulf %get3A_183, %mul3A_185 : vector<16xf32>
    %sub3A_187 = arith.constant 6.000000e+00 : f32
    %sub3A_188 = vector.broadcast %sub3A_187 : f32 to vector<16xf32>
    %sub3A_189 = arith.subf %mul3A_186, %sub3A_188 : vector<16xf32>
    %swap3A_190 = arith.constant 48 : index
    %swap3A_191 = tpu.vector_load %arg6[%swap3A_190] {strides = array<i32>} : memref<1024xf32, #tpu.memory_space<vmem>>, vector<16xf32>,
    tpu.vector_store %arg6[%swap3A_190], %sub3A_189 {strides = array<i32>} : memref<1024xf32, #tpu.memory_space<vmem>>, vector<16xf32>,
    %get3A_192 = arith.constant 0 : i32
    %get3A_193 = arith.index_cast %get3A_192 : i32 to index
    %get3A_194 = arith.constant 64 : index
    %get3A_195 = tpu.vector_load %arg5[%get3A_193, %get3A_194] {strides = array<i32>} : memref<1x1024xf32, #tpu.memory_space<vmem>>, vector<16xf32>,
    %mul3A_196 = arith.constant 1.200000e+01 : f32
    %mul3A_197 = vector.broadcast %mul3A_196 : f32 to vector<16xf32>
    %mul3A_198 = arith.mulf %get3A_195, %mul3A_197 : vector<16xf32>
    %sub3A_199 = arith.constant 6.000000e+00 : f32
    %sub3A_200 = vector.broadcast %sub3A_199 : f32 to vector<16xf32>
    %sub3A_201 = arith.subf %mul3A_198, %sub3A_200 : vector<16xf32>
    %swap3A_202 = arith.constant 64 : index
    %swap3A_203 = tpu.vector_load %arg6[%swap3A_202] {strides = array<i32>} : memref<1024xf32, #tpu.memory_space<vmem>>, vector<16xf32>,
    tpu.vector_store %arg6[%swap3A_202], %sub3A_201 {strides = array<i32>} : memref<1024xf32, #tpu.memory_space<vmem>>, vector<16xf32>,
    %get3A_204 = arith.constant 0 : i32
    %get3A_205 = arith.index_cast %get3A_204 : i32 to index
    %get3A_206 = arith.constant 80 : index
    %get3A_207 = tpu.vector_load %arg5[%get3A_205, %get3A_206] {strides = array<i32>} : memref<1x1024xf32, #tpu.memory_space<vmem>>, vector<16xf32>,
    %mul3A_208 = arith.constant 1.200000e+01 : f32
    %mul3A_209 = vector.broadcast %mul3A_208 : f32 to vector<16xf32>
    %mul3A_210 = arith.mulf %get3A_207, %mul3A_209 : vector<16xf32>
    %sub3A_211 = arith.constant 6.000000e+00 : f32
    %sub3A_212 = vector.broadcast %sub3A_211 : f32 to vector<16xf32>
    %sub3A_213 = arith.subf %mul3A_210, %sub3A_212 : vector<16xf32>
    %swap3A_214 = arith.constant 80 : index
    %swap3A_215 = tpu.vector_load %arg6[%swap3A_214] {strides = array<i32>} : memref<1024xf32, #tpu.memory_space<vmem>>, vector<16xf32>,
    tpu.vector_store %arg6[%swap3A_214], %sub3A_213 {strides = array<i32>} : memref<1024xf32, #tpu.memory_space<vmem>>, vector<16xf32>,
    %get3A_216 = arith.constant 0 : i32
    %get3A_217 = arith.index_cast %get3A_216 : i32 to index
    %get3A_218 = arith.constant 96 : index
    %get3A_219 = tpu.vector_load %arg5[%get3A_217, %get3A_218] {strides = array<i32>} : memref<1x1024xf32, #tpu.memory_space<vmem>>, vector<16xf32>,
    %mul3A_220 = arith.constant 1.200000e+01 : f32
    %mul3A_221 = vector.broadcast %mul3A_220 : f32 to vector<16xf32>
    %mul3A_222 = arith.mulf %get3A_219, %mul3A_221 : vector<16xf32>
    %sub3A_223 = arith.constant 6.000000e+00 : f32
    %sub3A_224 = vector.broadcast %sub3A_223 : f32 to vector<16xf32>
    %sub3A_225 = arith.subf %mul3A_222, %sub3A_224 : vector<16xf32>
    %swap3A_226 = arith.constant 96 : index
    %swap3A_227 = tpu.vector_load %arg6[%swap3A_226] {strides = array<i32>} : memref<1024xf32, #tpu.memory_space<vmem>>, vector<16xf32>,
    tpu.vector_store %arg6[%swap3A_226], %sub3A_225 {strides = array<i32>} : memref<1024xf32, #tpu.memory_space<vmem>>, vector<16xf32>,
    %get3A_228 = arith.constant 0 : i32
    %get3A_229 = arith.index_cast %get3A_228 : i32 to index
    %get3A_230 = arith.constant 112 : index
    %get3A_231 = tpu.vector_load %arg5[%get3A_229, %get3A_230] {strides = array<i32>} : memref<1x1024xf32, #tpu.memory_space<vmem>>, vector<16xf32>,
    %mul3A_232 = arith.constant 1.200000e+01 : f32
    %mul3A_233 = vector.broadcast %mul3A_232 : f32 to vector<16xf32>
    %mul3A_234 = arith.mulf %get3A_231, %mul3A_233 : vector<16xf32>
    %sub3A_235 = arith.constant 6.000000e+00 : f32
    %sub3A_236 = vector.broadcast %sub3A_235 : f32 to vector<16xf32>
    %sub3A_237 = arith.subf %mul3A_234, %sub3A_236 : vector<16xf32>
    %swap3A_238 = arith.constant 112 : index
    %swap3A_239 = tpu.vector_load %arg6[%swap3A_238] {strides = array<i32>} : memref<1024xf32, #tpu.memory_space<vmem>>, vector<16xf32>,
    tpu.vector_store %arg6[%swap3A_238], %sub3A_237 {strides = array<i32>} : memref<1024xf32, #tpu.memory_space<vmem>>, vector<16xf32>,
    %get3A_240 = arith.constant 0 : i32
    %get3A_241 = arith.index_cast %get3A_240 : i32 to index
    %get3A_242 = arith.constant 128 : index
    %get3A_243 = tpu.vector_load %arg5[%get3A_241, %get3A_242] {strides = array<i32>} : memref<1x1024xf32, #tpu.memory_space<vmem>>, vector<16xf32>,
    %mul3A_244 = arith.constant 1.200000e+01 : f32
    %mul3A_245 = vector.broadcast %mul3A_244 : f32 to vector<16xf32>
    %mul3A_246 = arith.mulf %get3A_243, %mul3A_245 : vector<16xf32>
    %sub3A_247 = arith.constant 6.000000e+00 : f32
    %sub3A_248 = vector.broadcast %sub3A_247 : f32 to vector<16xf32>
    %sub3A_249 = arith.subf %mul3A_246, %sub3A_248 : vector<16xf32>
    %swap3A_250 = arith.constant 128 : index
    %swap3A_251 = tpu.vector_load %arg6[%swap3A_250] {strides = array<i32>} : memref<1024xf32, #tpu.memory_space<vmem>>, vector<16xf32>,
    tpu.vector_store %arg6[%swap3A_250], %sub3A_249 {strides = array<i32>} : memref<1024xf32, #tpu.memory_space<vmem>>, vector<16xf32>,
    %get3A_252 = arith.constant 0 : i32
    %get3A_253 = arith.index_cast %get3A_252 : i32 to index
    %get3A_254 = arith.constant 144 : index
    %get3A_255 = tpu.vector_load %arg5[%get3A_253, %get3A_254] {strides = array<i32>} : memref<1x1024xf32, #tpu.memory_space<vmem>>, vector<16xf32>,
    %mul3A_256 = arith.constant 1.200000e+01 : f32
    %mul3A_257 = vector.broadcast %mul3A_256 : f32 to vector<16xf32>
    %mul3A_258 = arith.mulf %get3A_255, %mul3A_257 : vector<16xf32>
    %sub3A_259 = arith.constant 6.000000e+00 : f32
    %sub3A_260 = vector.broadcast %sub3A_259 : f32 to vector<16xf32>
    %sub3A_261 = arith.subf %mul3A_258, %sub3A_260 : vector<16xf32>
    %swap3A_262 = arith.constant 144 : index
    %swap3A_263 = tpu.vector_load %arg6[%swap3A_262] {strides = array<i32>} : memref<1024xf32, #tpu.memory_space<vmem>>, vector<16xf32>,
    tpu.vector_store %arg6[%swap3A_262], %sub3A_261 {strides = array<i32>} : memref<1024xf32, #tpu.memory_space<vmem>>, vector<16xf32>,
    %get3A_264 = arith.constant 0 : i32
    %get3A_265 = arith.index_cast %get3A_264 : i32 to index
    %get3A_266 = arith.constant 160 : index
    %get3A_267 = tpu.vector_load %arg5[%get3A_265, %get3A_266] {strides = array<i32>} : memref<1x1024xf32, #tpu.memory_space<vmem>>, vector<16xf32>,
    %mul3A_268 = arith.constant 1.200000e+01 : f32
    %mul3A_269 = vector.broadcast %mul3A_268 : f32 to vector<16xf32>
    %mul3A_270 = arith.mulf %get3A_267, %mul3A_269 : vector<16xf32>
    %sub3A_271 = arith.constant 6.000000e+00 : f32
    %sub3A_272 = vector.broadcast %sub3A_271 : f32 to vector<16xf32>
    %sub3A_273 = arith.subf %mul3A_270, %sub3A_272 : vector<16xf32>
    %swap3A_274 = arith.constant 160 : index
    %swap3A_275 = tpu.vector_load %arg6[%swap3A_274] {strides = array<i32>} : memref<1024xf32, #tpu.memory_space<vmem>>, vector<16xf32>,
    tpu.vector_store %arg6[%swap3A_274], %sub3A_273 {strides = array<i32>} : memref<1024xf32, #tpu.memory_space<vmem>>, vector<16xf32>,
    %get3A_276 = arith.constant 0 : i32
    %get3A_277 = arith.index_cast %get3A_276 : i32 to index
    %get3A_278 = arith.constant 176 : index
    %get3A_279 = tpu.vector_load %arg5[%get3A_277, %get3A_278] {strides = array<i32>} : memref<1x1024xf32, #tpu.memory_space<vmem>>, vector<16xf32>,
    %mul3A_280 = arith.constant 1.200000e+01 : f32
    %mul3A_281 = vector.broadcast %mul3A_280 : f32 to vector<16xf32>
    %mul3A_282 = arith.mulf %get3A_279, %mul3A_281 : vector<16xf32>
    %sub3A_283 = arith.constant 6.000000e+00 : f32
    %sub3A_284 = vector.broadcast %sub3A_283 : f32 to vector<16xf32>
    %sub3A_285 = arith.subf %mul3A_282, %sub3A_284 : vector<16xf32>
    %swap3A_286 = arith.constant 176 : index
    %swap3A_287 = tpu.vector_load %arg6[%swap3A_286] {strides = array<i32>} : memref<1024xf32, #tpu.memory_space<vmem>>, vector<16xf32>,
    tpu.vector_store %arg6[%swap3A_286], %sub3A_285 {strides = array<i32>} : memref<1024xf32, #tpu.memory_space<vmem>>, vector<16xf32>,
    %get3A_288 = arith.constant 0 : i32
    %get3A_289 = arith.index_cast %get3A_288 : i32 to index
    %get3A_290 = arith.constant 192 : index
    %get3A_291 = tpu.vector_load %arg5[%get3A_289, %get3A_290] {strides = array<i32>} : memref<1x1024xf32, #tpu.memory_space<vmem>>, vector<16xf32>,
    %mul3A_292 = arith.constant 1.200000e+01 : f32
    %mul3A_293 = vector.broadcast %mul3A_292 : f32 to vector<16xf32>
    %mul3A_294 = arith.mulf %get3A_291, %mul3A_293 : vector<16xf32>
    %sub3A_295 = arith.constant 6.000000e+00 : f32
    %sub3A_296 = vector.broadcast %sub3A_295 : f32 to vector<16xf32>
    %sub3A_297 = arith.subf %mul3A_294, %sub3A_296 : vector<16xf32>
    %swap3A_298 = arith.constant 192 : index
    %swap3A_299 = tpu.vector_load %arg6[%swap3A_298] {strides = array<i32>} : memref<1024xf32, #tpu.memory_space<vmem>>, vector<16xf32>,
    tpu.vector_store %arg6[%swap3A_298], %sub3A_297 {strides = array<i32>} : memref<1024xf32, #tpu.memory_space<vmem>>, vector<16xf32>,
    %get3A_300 = arith.constant 0 : i32
    %get3A_301 = arith.index_cast %get3A_300 : i32 to index
    %get3A_302 = arith.constant 208 : index
    %get3A_303 = tpu.vector_load %arg5[%get3A_301, %get3A_302] {strides = array<i32>} : memref<1x1024xf32, #tpu.memory_space<vmem>>, vector<16xf32>,
    %mul3A_304 = arith.constant 1.200000e+01 : f32
    %mul3A_305 = vector.broadcast %mul3A_304 : f32 to vector<16xf32>
    %mul3A_306 = arith.mulf %get3A_303, %mul3A_305 : vector<16xf32>
    %sub3A_307 = arith.constant 6.000000e+00 : f32
    %sub3A_308 = vector.broadcast %sub3A_307 : f32 to vector<16xf32>
    %sub3A_309 = arith.subf %mul3A_306, %sub3A_308 : vector<16xf32>
    %swap3A_310 = arith.constant 208 : index
    %swap3A_311 = tpu.vector_load %arg6[%swap3A_310] {strides = array<i32>} : memref<1024xf32, #tpu.memory_space<vmem>>, vector<16xf32>,
    tpu.vector_store %arg6[%swap3A_310], %sub3A_309 {strides = array<i32>} : memref<1024xf32, #tpu.memory_space<vmem>>, vector<16xf32>,
    %get3A_312 = arith.constant 0 : i32
    %get3A_313 = arith.index_cast %get3A_312 : i32 to index
    %get3A_314 = arith.constant 224 : index
    %get3A_315 = tpu.vector_load %arg5[%get3A_313, %get3A_314] {strides = array<i32>} : memref<1x1024xf32, #tpu.memory_space<vmem>>, vector<16xf32>,
    %mul3A_316 = arith.constant 1.200000e+01 : f32
    %mul3A_317 = vector.broadcast %mul3A_316 : f32 to vector<16xf32>
    %mul3A_318 = arith.mulf %get3A_315, %mul3A_317 : vector<16xf32>
    %sub3A_319 = arith.constant 6.000000e+00 : f32
    %sub3A_320 = vector.broadcast %sub3A_319 : f32 to vector<16xf32>
    %sub3A_321 = arith.subf %mul3A_318, %sub3A_320 : vector<16xf32>
    %swap3A_322 = arith.constant 224 : index
    %swap3A_323 = tpu.vector_load %arg6[%swap3A_322] {strides = array<i32>} : memref<1024xf32, #tpu.memory_space<vmem>>, vector<16xf32>,
    tpu.vector_store %arg6[%swap3A_322], %sub3A_321 {strides = array<i32>} : memref<1024xf32, #tpu.memory_space<vmem>>, vector<16xf32>,
    %get3A_324 = arith.constant 0 : i32
    %get3A_325 = arith.index_cast %get3A_324 : i32 to index
    %get3A_326 = arith.constant 240 : index
    %get3A_327 = tpu.vector_load %arg5[%get3A_325, %get3A_326] {strides = array<i32>} : memref<1x1024xf32, #tpu.memory_space<vmem>>, vector<16xf32>,
    %mul3A_328 = arith.constant 1.200000e+01 : f32
    %mul3A_329 = vector.broadcast %mul3A_328 : f32 to vector<16xf32>
    %mul3A_330 = arith.mulf %get3A_327, %mul3A_329 : vector<16xf32>
    %sub3A_331 = arith.constant 6.000000e+00 : f32
    %sub3A_332 = vector.broadcast %sub3A_331 : f32 to vector<16xf32>
    %sub3A_333 = arith.subf %mul3A_330, %sub3A_332 : vector<16xf32>
    %swap3A_334 = arith.constant 240 : index
    %swap3A_335 = tpu.vector_load %arg6[%swap3A_334] {strides = array<i32>} : memref<1024xf32, #tpu.memory_space<vmem>>, vector<16xf32>,
    tpu.vector_store %arg6[%swap3A_334], %sub3A_333 {strides = array<i32>} : memref<1024xf32, #tpu.memory_space<vmem>>, vector<16xf32>,
    %get3A_336 = arith.constant 0 : i32
    %get3A_337 = arith.index_cast %get3A_336 : i32 to index
    %get3A_338 = arith.constant 256 : index
    %get3A_339 = tpu.vector_load %arg5[%get3A_337, %get3A_338] {strides = array<i32>} : memref<1x1024xf32, #tpu.memory_space<vmem>>, vector<16xf32>,
    %mul3A_340 = arith.constant 1.200000e+01 : f32
    %mul3A_341 = vector.broadcast %mul3A_340 : f32 to vector<16xf32>
    %mul3A_342 = arith.mulf %get3A_339, %mul3A_341 : vector<16xf32>
    %sub3A_343 = arith.constant 6.000000e+00 : f32
    %sub3A_344 = vector.broadcast %sub3A_343 : f32 to vector<16xf32>
    %sub3A_345 = arith.subf %mul3A_342, %sub3A_344 : vector<16xf32>
    %swap3A_346 = arith.constant 256 : index
    %swap3A_347 = tpu.vector_load %arg6[%swap3A_346] {strides = array<i32>} : memref<1024xf32, #tpu.memory_space<vmem>>, vector<16xf32>,
    tpu.vector_store %arg6[%swap3A_346], %sub3A_345 {strides = array<i32>} : memref<1024xf32, #tpu.memory_space<vmem>>, vector<16xf32>,
    %get3A_348 = arith.constant 0 : i32
    %get3A_349 = arith.index_cast %get3A_348 : i32 to index
    %get3A_350 = arith.constant 272 : index
    %get3A_351 = tpu.vector_load %arg5[%get3A_349, %get3A_350] {strides = array<i32>} : memref<1x1024xf32, #tpu.memory_space<vmem>>, vector<16xf32>,
    %mul3A_352 = arith.constant 1.200000e+01 : f32
    %mul3A_353 = vector.broadcast %mul3A_352 : f32 to vector<16xf32>
    %mul3A_354 = arith.mulf %get3A_351, %mul3A_353 : vector<16xf32>
    %sub3A_355 = arith.constant 6.000000e+00 : f32
    %sub3A_356 = vector.broadcast %sub3A_355 : f32 to vector<16xf32>
    %sub3A_357 = arith.subf %mul3A_354, %sub3A_356 : vector<16xf32>
    %swap3A_358 = arith.constant 272 : index
    %swap3A_359 = tpu.vector_load %arg6[%swap3A_358] {strides = array<i32>} : memref<1024xf32, #tpu.memory_space<vmem>>, vector<16xf32>,
    tpu.vector_store %arg6[%swap3A_358], %sub3A_357 {strides = array<i32>} : memref<1024xf32, #tpu.memory_space<vmem>>, vector<16xf32>,
    %get3A_360 = arith.constant 0 : i32
    %get3A_361 = arith.index_cast %get3A_360 : i32 to index
    %get3A_362 = arith.constant 288 : index
    %get3A_363 = tpu.vector_load %arg5[%get3A_361, %get3A_362] {strides = array<i32>} : memref<1x1024xf32, #tpu.memory_space<vmem>>, vector<16xf32>,
    %mul3A_364 = arith.constant 1.200000e+01 : f32
    %mul3A_365 = vector.broadcast %mul3A_364 : f32 to vector<16xf32>
    %mul3A_366 = arith.mulf %get3A_363, %mul3A_365 : vector<16xf32>
    %sub3A_367 = arith.constant 6.000000e+00 : f32
    %sub3A_368 = vector.broadcast %sub3A_367 : f32 to vector<16xf32>
    %sub3A_369 = arith.subf %mul3A_366, %sub3A_368 : vector<16xf32>
    %swap3A_370 = arith.constant 288 : index
    %swap3A_371 = tpu.vector_load %arg6[%swap3A_370] {strides = array<i32>} : memref<1024xf32, #tpu.memory_space<vmem>>, vector<16xf32>,
    tpu.vector_store %arg6[%swap3A_370], %sub3A_369 {strides = array<i32>} : memref<1024xf32, #tpu.memory_space<vmem>>, vector<16xf32>,
    %get3A_372 = arith.constant 0 : i32
    %get3A_373 = arith.index_cast %get3A_372 : i32 to index
    %get3A_374 = arith.constant 304 : index
    %get3A_375 = tpu.vector_load %arg5[%get3A_373, %get3A_374] {strides = array<i32>} : memref<1x1024xf32, #tpu.memory_space<vmem>>, vector<16xf32>,
    %mul3A_376 = arith.constant 1.200000e+01 : f32
    %mul3A_377 = vector.broadcast %mul3A_376 : f32 to vector<16xf32>
    %mul3A_378 = arith.mulf %get3A_375, %mul3A_377 : vector<16xf32>
    %sub3A_379 = arith.constant 6.000000e+00 : f32
    %sub3A_380 = vector.broadcast %sub3A_379 : f32 to vector<16xf32>
    %sub3A_381 = arith.subf %mul3A_378, %sub3A_380 : vector<16xf32>
    %swap3A_382 = arith.constant 304 : index
    %swap3A_383 = tpu.vector_load %arg6[%swap3A_382] {strides = array<i32>} : memref<1024xf32, #tpu.memory_space<vmem>>, vector<16xf32>,
    tpu.vector_store %arg6[%swap3A_382], %sub3A_381 {strides = array<i32>} : memref<1024xf32, #tpu.memory_space<vmem>>, vector<16xf32>,
    %get3A_384 = arith.constant 0 : i32
    %get3A_385 = arith.index_cast %get3A_384 : i32 to index
    %get3A_386 = arith.constant 320 : index
    %get3A_387 = tpu.vector_load %arg5[%get3A_385, %get3A_386] {strides = array<i32>} : memref<1x1024xf32, #tpu.memory_space<vmem>>, vector<16xf32>,
    %mul3A_388 = arith.constant 1.200000e+01 : f32
    %mul3A_389 = vector.broadcast %mul3A_388 : f32 to vector<16xf32>
    %mul3A_390 = arith.mulf %get3A_387, %mul3A_389 : vector<16xf32>
    %sub3A_391 = arith.constant 6.000000e+00 : f32
    %sub3A_392 = vector.broadcast %sub3A_391 : f32 to vector<16xf32>
    %sub3A_393 = arith.subf %mul3A_390, %sub3A_392 : vector<16xf32>
    %swap3A_394 = arith.constant 320 : index
    %swap3A_395 = tpu.vector_load %arg6[%swap3A_394] {strides = array<i32>} : memref<1024xf32, #tpu.memory_space<vmem>>, vector<16xf32>,
    tpu.vector_store %arg6[%swap3A_394], %sub3A_393 {strides = array<i32>} : memref<1024xf32, #tpu.memory_space<vmem>>, vector<16xf32>,
    %get3A_396 = arith.constant 0 : i32
    %get3A_397 = arith.index_cast %get3A_396 : i32 to index
    %get3A_398 = arith.constant 336 : index
    %get3A_399 = tpu.vector_load %arg5[%get3A_397, %get3A_398] {strides = array<i32>} : memref<1x1024xf32, #tpu.memory_space<vmem>>, vector<16xf32>,
    %mul3A_400 = arith.constant 1.200000e+01 : f32
    %mul3A_401 = vector.broadcast %mul3A_400 : f32 to vector<16xf32>
    %mul3A_402 = arith.mulf %get3A_399, %mul3A_401 : vector<16xf32>
    %sub3A_403 = arith.constant 6.000000e+00 : f32
    %sub3A_404 = vector.broadcast %sub3A_403 : f32 to vector<16xf32>
    %sub3A_405 = arith.subf %mul3A_402, %sub3A_404 : vector<16xf32>
    %swap3A_406 = arith.constant 336 : index
    %swap3A_407 = tpu.vector_load %arg6[%swap3A_406] {strides = array<i32>} : memref<1024xf32, #tpu.memory_space<vmem>>, vector<16xf32>,
    tpu.vector_store %arg6[%swap3A_406], %sub3A_405 {strides = array<i32>} : memref<1024xf32, #tpu.memory_space<vmem>>, vector<16xf32>,
    %get3A_408 = arith.constant 0 : i32
    %get3A_409 = arith.index_cast %get3A_408 : i32 to index
    %get3A_410 = arith.constant 352 : index
    %get3A_411 = tpu.vector_load %arg5[%get3A_409, %get3A_410] {strides = array<i32>} : memref<1x1024xf32, #tpu.memory_space<vmem>>, vector<16xf32>,
    %mul3A_412 = arith.constant 1.200000e+01 : f32
    %mul3A_413 = vector.broadcast %mul3A_412 : f32 to vector<16xf32>
    %mul3A_414 = arith.mulf %get3A_411, %mul3A_413 : vector<16xf32>
    %sub3A_415 = arith.constant 6.000000e+00 : f32
    %sub3A_416 = vector.broadcast %sub3A_415 : f32 to vector<16xf32>
    %sub3A_417 = arith.subf %mul3A_414, %sub3A_416 : vector<16xf32>
    %swap3A_418 = arith.constant 352 : index
    %swap3A_419 = tpu.vector_load %arg6[%swap3A_418] {strides = array<i32>} : memref<1024xf32, #tpu.memory_space<vmem>>, vector<16xf32>,
    tpu.vector_store %arg6[%swap3A_418], %sub3A_417 {strides = array<i32>} : memref<1024xf32, #tpu.memory_space<vmem>>, vector<16xf32>,
    %get3A_420 = arith.constant 0 : i32
    %get3A_421 = arith.index_cast %get3A_420 : i32 to index
    %get3A_422 = arith.constant 368 : index
    %get3A_423 = tpu.vector_load %arg5[%get3A_421, %get3A_422] {strides = array<i32>} : memref<1x1024xf32, #tpu.memory_space<vmem>>, vector<16xf32>,
    %mul3A_424 = arith.constant 1.200000e+01 : f32
    %mul3A_425 = vector.broadcast %mul3A_424 : f32 to vector<16xf32>
    %mul3A_426 = arith.mulf %get3A_423, %mul3A_425 : vector<16xf32>
    %sub3A_427 = arith.constant 6.000000e+00 : f32
    %sub3A_428 = vector.broadcast %sub3A_427 : f32 to vector<16xf32>
    %sub3A_429 = arith.subf %mul3A_426, %sub3A_428 : vector<16xf32>
    %swap3A_430 = arith.constant 368 : index
    %swap3A_431 = tpu.vector_load %arg6[%swap3A_430] {strides = array<i32>} : memref<1024xf32, #tpu.memory_space<vmem>>, vector<16xf32>,
    tpu.vector_store %arg6[%swap3A_430], %sub3A_429 {strides = array<i32>} : memref<1024xf32, #tpu.memory_space<vmem>>, vector<16xf32>,
    %get3A_432 = arith.constant 0 : i32
    %get3A_433 = arith.index_cast %get3A_432 : i32 to index
    %get3A_434 = arith.constant 384 : index
    %get3A_435 = tpu.vector_load %arg5[%get3A_433, %get3A_434] {strides = array<i32>} : memref<1x1024xf32, #tpu.memory_space<vmem>>, vector<16xf32>,
    %mul3A_436 = arith.constant 1.200000e+01 : f32
    %mul3A_437 = vector.broadcast %mul3A_436 : f32 to vector<16xf32>
    %mul3A_438 = arith.mulf %get3A_435, %mul3A_437 : vector<16xf32>
    %sub3A_439 = arith.constant 6.000000e+00 : f32
    %sub3A_440 = vector.broadcast %sub3A_439 : f32 to vector<16xf32>
    %sub3A_441 = arith.subf %mul3A_438, %sub3A_440 : vector<16xf32>
    %swap3A_442 = arith.constant 384 : index
    %swap3A_443 = tpu.vector_load %arg6[%swap3A_442] {strides = array<i32>} : memref<1024xf32, #tpu.memory_space<vmem>>, vector<16xf32>,
    tpu.vector_store %arg6[%swap3A_442], %sub3A_441 {strides = array<i32>} : memref<1024xf32, #tpu.memory_space<vmem>>, vector<16xf32>,
    %get3A_444 = arith.constant 0 : i32
    %get3A_445 = arith.index_cast %get3A_444 : i32 to index
    %get3A_446 = arith.constant 400 : index
    %get3A_447 = tpu.vector_load %arg5[%get3A_445, %get3A_446] {strides = array<i32>} : memref<1x1024xf32, #tpu.memory_space<vmem>>, vector<16xf32>,
    %mul3A_448 = arith.constant 1.200000e+01 : f32
    %mul3A_449 = vector.broadcast %mul3A_448 : f32 to vector<16xf32>
    %mul3A_450 = arith.mulf %get3A_447, %mul3A_449 : vector<16xf32>
    %sub3A_451 = arith.constant 6.000000e+00 : f32
    %sub3A_452 = vector.broadcast %sub3A_451 : f32 to vector<16xf32>
    %sub3A_453 = arith.subf %mul3A_450, %sub3A_452 : vector<16xf32>
    %swap3A_454 = arith.constant 400 : index
    %swap3A_455 = tpu.vector_load %arg6[%swap3A_454] {strides = array<i32>} : memref<1024xf32, #tpu.memory_space<vmem>>, vector<16xf32>,
    tpu.vector_store %arg6[%swap3A_454], %sub3A_453 {strides = array<i32>} : memref<1024xf32, #tpu.memory_space<vmem>>, vector<16xf32>,
    %get3A_456 = arith.constant 0 : i32
    %get3A_457 = arith.index_cast %get3A_456 : i32 to index
    %get3A_458 = arith.constant 416 : index
    %get3A_459 = tpu.vector_load %arg5[%get3A_457, %get3A_458] {strides = array<i32>} : memref<1x1024xf32, #tpu.memory_space<vmem>>, vector<16xf32>,
    %mul3A_460 = arith.constant 1.200000e+01 : f32
    %mul3A_461 = vector.broadcast %mul3A_460 : f32 to vector<16xf32>
    %mul3A_462 = arith.mulf %get3A_459, %mul3A_461 : vector<16xf32>
    %sub3A_463 = arith.constant 6.000000e+00 : f32
    %sub3A_464 = vector.broadcast %sub3A_463 : f32 to vector<16xf32>
    %sub3A_465 = arith.subf %mul3A_462, %sub3A_464 : vector<16xf32>
    %swap3A_466 = arith.constant 416 : index
    %swap3A_467 = tpu.vector_load %arg6[%swap3A_466] {strides = array<i32>} : memref<1024xf32, #tpu.memory_space<vmem>>, vector<16xf32>,
    tpu.vector_store %arg6[%swap3A_466], %sub3A_465 {strides = array<i32>} : memref<1024xf32, #tpu.memory_space<vmem>>, vector<16xf32>,
    %get3A_468 = arith.constant 0 : i32
    %get3A_469 = arith.index_cast %get3A_468 : i32 to index
    %get3A_470 = arith.constant 432 : index
    %get3A_471 = tpu.vector_load %arg5[%get3A_469, %get3A_470] {strides = array<i32>} : memref<1x1024xf32, #tpu.memory_space<vmem>>, vector<16xf32>,
    %mul3A_472 = arith.constant 1.200000e+01 : f32
    %mul3A_473 = vector.broadcast %mul3A_472 : f32 to vector<16xf32>
    %mul3A_474 = arith.mulf %get3A_471, %mul3A_473 : vector<16xf32>
    %sub3A_475 = arith.constant 6.000000e+00 : f32
    %sub3A_476 = vector.broadcast %sub3A_475 : f32 to vector<16xf32>
    %sub3A_477 = arith.subf %mul3A_474, %sub3A_476 : vector<16xf32>
    %swap3A_478 = arith.constant 432 : index
    %swap3A_479 = tpu.vector_load %arg6[%swap3A_478] {strides = array<i32>} : memref<1024xf32, #tpu.memory_space<vmem>>, vector<16xf32>,
    tpu.vector_store %arg6[%swap3A_478], %sub3A_477 {strides = array<i32>} : memref<1024xf32, #tpu.memory_space<vmem>>, vector<16xf32>,
    %get3A_480 = arith.constant 0 : i32
    %get3A_481 = arith.index_cast %get3A_480 : i32 to index
    %get3A_482 = arith.constant 448 : index
    %get3A_483 = tpu.vector_load %arg5[%get3A_481, %get3A_482] {strides = array<i32>} : memref<1x1024xf32, #tpu.memory_space<vmem>>, vector<16xf32>,
    %mul3A_484 = arith.constant 1.200000e+01 : f32
    %mul3A_485 = vector.broadcast %mul3A_484 : f32 to vector<16xf32>
    %mul3A_486 = arith.mulf %get3A_483, %mul3A_485 : vector<16xf32>
    %sub3A_487 = arith.constant 6.000000e+00 : f32
    %sub3A_488 = vector.broadcast %sub3A_487 : f32 to vector<16xf32>
    %sub3A_489 = arith.subf %mul3A_486, %sub3A_488 : vector<16xf32>
    %swap3A_490 = arith.constant 448 : index
    %swap3A_491 = tpu.vector_load %arg6[%swap3A_490] {strides = array<i32>} : memref<1024xf32, #tpu.memory_space<vmem>>, vector<16xf32>,
    tpu.vector_store %arg6[%swap3A_490], %sub3A_489 {strides = array<i32>} : memref<1024xf32, #tpu.memory_space<vmem>>, vector<16xf32>,
    %get3A_492 = arith.constant 0 : i32
    %get3A_493 = arith.index_cast %get3A_492 : i32 to index
    %get3A_494 = arith.constant 464 : index
    %get3A_495 = tpu.vector_load %arg5[%get3A_493, %get3A_494] {strides = array<i32>} : memref<1x1024xf32, #tpu.memory_space<vmem>>, vector<16xf32>,
    %mul3A_496 = arith.constant 1.200000e+01 : f32
    %mul3A_497 = vector.broadcast %mul3A_496 : f32 to vector<16xf32>
    %mul3A_498 = arith.mulf %get3A_495, %mul3A_497 : vector<16xf32>
    %sub3A_499 = arith.constant 6.000000e+00 : f32
    %sub3A_500 = vector.broadcast %sub3A_499 : f32 to vector<16xf32>
    %sub3A_501 = arith.subf %mul3A_498, %sub3A_500 : vector<16xf32>
    %swap3A_502 = arith.constant 464 : index
    %swap3A_503 = tpu.vector_load %arg6[%swap3A_502] {strides = array<i32>} : memref<1024xf32, #tpu.memory_space<vmem>>, vector<16xf32>,
    tpu.vector_store %arg6[%swap3A_502], %sub3A_501 {strides = array<i32>} : memref<1024xf32, #tpu.memory_space<vmem>>, vector<16xf32>,
    %get3A_504 = arith.constant 0 : i32
    %get3A_505 = arith.index_cast %get3A_504 : i32 to index
    %get3A_506 = arith.constant 480 : index
    %get3A_507 = tpu.vector_load %arg5[%get3A_505, %get3A_506] {strides = array<i32>} : memref<1x1024xf32, #tpu.memory_space<vmem>>, vector<16xf32>,
    %mul3A_508 = arith.constant 1.200000e+01 : f32
    %mul3A_509 = vector.broadcast %mul3A_508 : f32 to vector<16xf32>
    %mul3A_510 = arith.mulf %get3A_507, %mul3A_509 : vector<16xf32>
    %sub3A_511 = arith.constant 6.000000e+00 : f32
    %sub3A_512 = vector.broadcast %sub3A_511 : f32 to vector<16xf32>
    %sub3A_513 = arith.subf %mul3A_510, %sub3A_512 : vector<16xf32>
    %swap3A_514 = arith.constant 480 : index
    %swap3A_515 = tpu.vector_load %arg6[%swap3A_514] {strides = array<i32>} : memref<1024xf32, #tpu.memory_space<vmem>>, vector<16xf32>,
    tpu.vector_store %arg6[%swap3A_514], %sub3A_513 {strides = array<i32>} : memref<1024xf32, #tpu.memory_space<vmem>>, vector<16xf32>,
    %get3A_516 = arith.constant 0 : i32
    %get3A_517 = arith.index_cast %get3A_516 : i32 to index
    %get3A_518 = arith.constant 496 : index
    %get3A_519 = tpu.vector_load %arg5[%get3A_517, %get3A_518] {strides = array<i32>} : memref<1x1024xf32, #tpu.memory_space<vmem>>, vector<16xf32>,
    %mul3A_520 = arith.constant 1.200000e+01 : f32
    %mul3A_521 = vector.broadcast %mul3A_520 : f32 to vector<16xf32>
    %mul3A_522 = arith.mulf %get3A_519, %mul3A_521 : vector<16xf32>
    %sub3A_523 = arith.constant 6.000000e+00 : f32
    %sub3A_524 = vector.broadcast %sub3A_523 : f32 to vector<16xf32>
    %sub3A_525 = arith.subf %mul3A_522, %sub3A_524 : vector<16xf32>
    %swap3A_526 = arith.constant 496 : index
    %swap3A_527 = tpu.vector_load %arg6[%swap3A_526] {strides = array<i32>} : memref<1024xf32, #tpu.memory_space<vmem>>, vector<16xf32>,
    tpu.vector_store %arg6[%swap3A_526], %sub3A_525 {strides = array<i32>} : memref<1024xf32, #tpu.memory_space<vmem>>, vector<16xf32>,
    %get3A_528 = arith.constant 0 : i32
    %get3A_529 = arith.index_cast %get3A_528 : i32 to index
    %get3A_530 = arith.constant 512 : index
    %get3A_531 = tpu.vector_load %arg5[%get3A_529, %get3A_530] {strides = array<i32>} : memref<1x1024xf32, #tpu.memory_space<vmem>>, vector<16xf32>,
    %mul3A_532 = arith.constant 1.200000e+01 : f32
    %mul3A_533 = vector.broadcast %mul3A_532 : f32 to vector<16xf32>
    %mul3A_534 = arith.mulf %get3A_531, %mul3A_533 : vector<16xf32>
    %sub3A_535 = arith.constant 6.000000e+00 : f32
    %sub3A_536 = vector.broadcast %sub3A_535 : f32 to vector<16xf32>
    %sub3A_537 = arith.subf %mul3A_534, %sub3A_536 : vector<16xf32>
    %swap3A_538 = arith.constant 512 : index
    %swap3A_539 = tpu.vector_load %arg6[%swap3A_538] {strides = array<i32>} : memref<1024xf32, #tpu.memory_space<vmem>>, vector<16xf32>,
    tpu.vector_store %arg6[%swap3A_538], %sub3A_537 {strides = array<i32>} : memref<1024xf32, #tpu.memory_space<vmem>>, vector<16xf32>,
    %get3A_540 = arith.constant 0 : i32
    %get3A_541 = arith.index_cast %get3A_540 : i32 to index
    %get3A_542 = arith.constant 528 : index
    %get3A_543 = tpu.vector_load %arg5[%get3A_541, %get3A_542] {strides = array<i32>} : memref<1x1024xf32, #tpu.memory_space<vmem>>, vector<16xf32>,
    %mul3A_544 = arith.constant 1.200000e+01 : f32
    %mul3A_545 = vector.broadcast %mul3A_544 : f32 to vector<16xf32>
    %mul3A_546 = arith.mulf %get3A_543, %mul3A_545 : vector<16xf32>
    %sub3A_547 = arith.constant 6.000000e+00 : f32
    %sub3A_548 = vector.broadcast %sub3A_547 : f32 to vector<16xf32>
    %sub3A_549 = arith.subf %mul3A_546, %sub3A_548 : vector<16xf32>
    %swap3A_550 = arith.constant 528 : index
    %swap3A_551 = tpu.vector_load %arg6[%swap3A_550] {strides = array<i32>} : memref<1024xf32, #tpu.memory_space<vmem>>, vector<16xf32>,
    tpu.vector_store %arg6[%swap3A_550], %sub3A_549 {strides = array<i32>} : memref<1024xf32, #tpu.memory_space<vmem>>, vector<16xf32>,
    %get3A_552 = arith.constant 0 : i32
    %get3A_553 = arith.index_cast %get3A_552 : i32 to index
    %get3A_554 = arith.constant 544 : index
    %get3A_555 = tpu.vector_load %arg5[%get3A_553, %get3A_554] {strides = array<i32>} : memref<1x1024xf32, #tpu.memory_space<vmem>>, vector<16xf32>,
    %mul3A_556 = arith.constant 1.200000e+01 : f32
    %mul3A_557 = vector.broadcast %mul3A_556 : f32 to vector<16xf32>
    %mul3A_558 = arith.mulf %get3A_555, %mul3A_557 : vector<16xf32>
    %sub3A_559 = arith.constant 6.000000e+00 : f32
    %sub3A_560 = vector.broadcast %sub3A_559 : f32 to vector<16xf32>
    %sub3A_561 = arith.subf %mul3A_558, %sub3A_560 : vector<16xf32>
    %swap3A_562 = arith.constant 544 : index
    %swap3A_563 = tpu.vector_load %arg6[%swap3A_562] {strides = array<i32>} : memref<1024xf32, #tpu.memory_space<vmem>>, vector<16xf32>,
    tpu.vector_store %arg6[%swap3A_562], %sub3A_561 {strides = array<i32>} : memref<1024xf32, #tpu.memory_space<vmem>>, vector<16xf32>,
    %get3A_564 = arith.constant 0 : i32
    %get3A_565 = arith.index_cast %get3A_564 : i32 to index
    %get3A_566 = arith.constant 560 : index
    %get3A_567 = tpu.vector_load %arg5[%get3A_565, %get3A_566] {strides = array<i32>} : memref<1x1024xf32, #tpu.memory_space<vmem>>, vector<16xf32>,
    %mul3A_568 = arith.constant 1.200000e+01 : f32
    %mul3A_569 = vector.broadcast %mul3A_568 : f32 to vector<16xf32>
    %mul3A_570 = arith.mulf %get3A_567, %mul3A_569 : vector<16xf32>
    %sub3A_571 = arith.constant 6.000000e+00 : f32
    %sub3A_572 = vector.broadcast %sub3A_571 : f32 to vector<16xf32>
    %sub3A_573 = arith.subf %mul3A_570, %sub3A_572 : vector<16xf32>
    %swap3A_574 = arith.constant 560 : index
    %swap3A_575 = tpu.vector_load %arg6[%swap3A_574] {strides = array<i32>} : memref<1024xf32, #tpu.memory_space<vmem>>, vector<16xf32>,
    tpu.vector_store %arg6[%swap3A_574], %sub3A_573 {strides = array<i32>} : memref<1024xf32, #tpu.memory_space<vmem>>, vector<16xf32>,
    %get3A_576 = arith.constant 0 : i32
    %get3A_577 = arith.index_cast %get3A_576 : i32 to index
    %get3A_578 = arith.constant 576 : index
    %get3A_579 = tpu.vector_load %arg5[%get3A_577, %get3A_578] {strides = array<i32>} : memref<1x1024xf32, #tpu.memory_space<vmem>>, vector<16xf32>,
    %mul3A_580 = arith.constant 1.200000e+01 : f32
    %mul3A_581 = vector.broadcast %mul3A_580 : f32 to vector<16xf32>
    %mul3A_582 = arith.mulf %get3A_579, %mul3A_581 : vector<16xf32>
    %sub3A_583 = arith.constant 6.000000e+00 : f32
    %sub3A_584 = vector.broadcast %sub3A_583 : f32 to vector<16xf32>
    %sub3A_585 = arith.subf %mul3A_582, %sub3A_584 : vector<16xf32>
    %swap3A_586 = arith.constant 576 : index
    %swap3A_587 = tpu.vector_load %arg6[%swap3A_586] {strides = array<i32>} : memref<1024xf32, #tpu.memory_space<vmem>>, vector<16xf32>,
    tpu.vector_store %arg6[%swap3A_586], %sub3A_585 {strides = array<i32>} : memref<1024xf32, #tpu.memory_space<vmem>>, vector<16xf32>,
    %get3A_588 = arith.constant 0 : i32
    %get3A_589 = arith.index_cast %get3A_588 : i32 to index
    %get3A_590 = arith.constant 592 : index
    %get3A_591 = tpu.vector_load %arg5[%get3A_589, %get3A_590] {strides = array<i32>} : memref<1x1024xf32, #tpu.memory_space<vmem>>, vector<16xf32>,
    %mul3A_592 = arith.constant 1.200000e+01 : f32
    %mul3A_593 = vector.broadcast %mul3A_592 : f32 to vector<16xf32>
    %mul3A_594 = arith.mulf %get3A_591, %mul3A_593 : vector<16xf32>
    %sub3A_595 = arith.constant 6.000000e+00 : f32
    %sub3A_596 = vector.broadcast %sub3A_595 : f32 to vector<16xf32>
    %sub3A_597 = arith.subf %mul3A_594, %sub3A_596 : vector<16xf32>
    %swap3A_598 = arith.constant 592 : index
    %swap3A_599 = tpu.vector_load %arg6[%swap3A_598] {strides = array<i32>} : memref<1024xf32, #tpu.memory_space<vmem>>, vector<16xf32>,
    tpu.vector_store %arg6[%swap3A_598], %sub3A_597 {strides = array<i32>} : memref<1024xf32, #tpu.memory_space<vmem>>, vector<16xf32>,
    %get3A_600 = arith.constant 0 : i32
    %get3A_601 = arith.index_cast %get3A_600 : i32 to index
    %get3A_602 = arith.constant 608 : index
    %get3A_603 = tpu.vector_load %arg5[%get3A_601, %get3A_602] {strides = array<i32>} : memref<1x1024xf32, #tpu.memory_space<vmem>>, vector<16xf32>,
    %mul3A_604 = arith.constant 1.200000e+01 : f32
    %mul3A_605 = vector.broadcast %mul3A_604 : f32 to vector<16xf32>
    %mul3A_606 = arith.mulf %get3A_603, %mul3A_605 : vector<16xf32>
    %sub3A_607 = arith.constant 6.000000e+00 : f32
    %sub3A_608 = vector.broadcast %sub3A_607 : f32 to vector<16xf32>
    %sub3A_609 = arith.subf %mul3A_606, %sub3A_608 : vector<16xf32>
    %swap3A_610 = arith.constant 608 : index
    %swap3A_611 = tpu.vector_load %arg6[%swap3A_610] {strides = array<i32>} : memref<1024xf32, #tpu.memory_space<vmem>>, vector<16xf32>,
    tpu.vector_store %arg6[%swap3A_610], %sub3A_609 {strides = array<i32>} : memref<1024xf32, #tpu.memory_space<vmem>>, vector<16xf32>,
    %get3A_612 = arith.constant 0 : i32
    %get3A_613 = arith.index_cast %get3A_612 : i32 to index
    %get3A_614 = arith.constant 624 : index
    %get3A_615 = tpu.vector_load %arg5[%get3A_613, %get3A_614] {strides = array<i32>} : memref<1x1024xf32, #tpu.memory_space<vmem>>, vector<16xf32>,
    %mul3A_616 = arith.constant 1.200000e+01 : f32
    %mul3A_617 = vector.broadcast %mul3A_616 : f32 to vector<16xf32>
    %mul3A_618 = arith.mulf %get3A_615, %mul3A_617 : vector<16xf32>
    %sub3A_619 = arith.constant 6.000000e+00 : f32
    %sub3A_620 = vector.broadcast %sub3A_619 : f32 to vector<16xf32>
    %sub3A_621 = arith.subf %mul3A_618, %sub3A_620 : vector<16xf32>
    %swap3A_622 = arith.constant 624 : index
    %swap3A_623 = tpu.vector_load %arg6[%swap3A_622] {strides = array<i32>} : memref<1024xf32, #tpu.memory_space<vmem>>, vector<16xf32>,
    tpu.vector_store %arg6[%swap3A_622], %sub3A_621 {strides = array<i32>} : memref<1024xf32, #tpu.memory_space<vmem>>, vector<16xf32>,
    %get3A_624 = arith.constant 0 : i32
    %get3A_625 = arith.index_cast %get3A_624 : i32 to index
    %get3A_626 = arith.constant 640 : index
    %get3A_627 = tpu.vector_load %arg5[%get3A_625, %get3A_626] {strides = array<i32>} : memref<1x1024xf32, #tpu.memory_space<vmem>>, vector<16xf32>,
    %mul3A_628 = arith.constant 1.200000e+01 : f32
    %mul3A_629 = vector.broadcast %mul3A_628 : f32 to vector<16xf32>
    %mul3A_630 = arith.mulf %get3A_627, %mul3A_629 : vector<16xf32>
    %sub3A_631 = arith.constant 6.000000e+00 : f32
    %sub3A_632 = vector.broadcast %sub3A_631 : f32 to vector<16xf32>
    %sub3A_633 = arith.subf %mul3A_630, %sub3A_632 : vector<16xf32>
    %swap3A_634 = arith.constant 640 : index
    %swap3A_635 = tpu.vector_load %arg6[%swap3A_634] {strides = array<i32>} : memref<1024xf32, #tpu.memory_space<vmem>>, vector<16xf32>,
    tpu.vector_store %arg6[%swap3A_634], %sub3A_633 {strides = array<i32>} : memref<1024xf32, #tpu.memory_space<vmem>>, vector<16xf32>,
    %get3A_636 = arith.constant 0 : i32
    %get3A_637 = arith.index_cast %get3A_636 : i32 to index
    %get3A_638 = arith.constant 656 : index
    %get3A_639 = tpu.vector_load %arg5[%get3A_637, %get3A_638] {strides = array<i32>} : memref<1x1024xf32, #tpu.memory_space<vmem>>, vector<16xf32>,
    %mul3A_640 = arith.constant 1.200000e+01 : f32
    %mul3A_641 = vector.broadcast %mul3A_640 : f32 to vector<16xf32>
    %mul3A_642 = arith.mulf %get3A_639, %mul3A_641 : vector<16xf32>
    %sub3A_643 = arith.constant 6.000000e+00 : f32
    %sub3A_644 = vector.broadcast %sub3A_643 : f32 to vector<16xf32>
    %sub3A_645 = arith.subf %mul3A_642, %sub3A_644 : vector<16xf32>
    %swap3A_646 = arith.constant 656 : index
    %swap3A_647 = tpu.vector_load %arg6[%swap3A_646] {strides = array<i32>} : memref<1024xf32, #tpu.memory_space<vmem>>, vector<16xf32>,
    tpu.vector_store %arg6[%swap3A_646], %sub3A_645 {strides = array<i32>} : memref<1024xf32, #tpu.memory_space<vmem>>, vector<16xf32>,
    %get3A_648 = arith.constant 0 : i32
    %get3A_649 = arith.index_cast %get3A_648 : i32 to index
    %get3A_650 = arith.constant 672 : index
    %get3A_651 = tpu.vector_load %arg5[%get3A_649, %get3A_650] {strides = array<i32>} : memref<1x1024xf32, #tpu.memory_space<vmem>>, vector<16xf32>,
    %mul3A_652 = arith.constant 1.200000e+01 : f32
    %mul3A_653 = vector.broadcast %mul3A_652 : f32 to vector<16xf32>
    %mul3A_654 = arith.mulf %get3A_651, %mul3A_653 : vector<16xf32>
    %sub3A_655 = arith.constant 6.000000e+00 : f32
    %sub3A_656 = vector.broadcast %sub3A_655 : f32 to vector<16xf32>
    %sub3A_657 = arith.subf %mul3A_654, %sub3A_656 : vector<16xf32>
    %swap3A_658 = arith.constant 672 : index
    %swap3A_659 = tpu.vector_load %arg6[%swap3A_658] {strides = array<i32>} : memref<1024xf32, #tpu.memory_space<vmem>>, vector<16xf32>,
    tpu.vector_store %arg6[%swap3A_658], %sub3A_657 {strides = array<i32>} : memref<1024xf32, #tpu.memory_space<vmem>>, vector<16xf32>,
    %get3A_660 = arith.constant 0 : i32
    %get3A_661 = arith.index_cast %get3A_660 : i32 to index
    %get3A_662 = arith.constant 688 : index
    %get3A_663 = tpu.vector_load %arg5[%get3A_661, %get3A_662] {strides = array<i32>} : memref<1x1024xf32, #tpu.memory_space<vmem>>, vector<16xf32>,
    %mul3A_664 = arith.constant 1.200000e+01 : f32
    %mul3A_665 = vector.broadcast %mul3A_664 : f32 to vector<16xf32>
    %mul3A_666 = arith.mulf %get3A_663, %mul3A_665 : vector<16xf32>
    %sub3A_667 = arith.constant 6.000000e+00 : f32
    %sub3A_668 = vector.broadcast %sub3A_667 : f32 to vector<16xf32>
    %sub3A_669 = arith.subf %mul3A_666, %sub3A_668 : vector<16xf32>
    %swap3A_670 = arith.constant 688 : index
    %swap3A_671 = tpu.vector_load %arg6[%swap3A_670] {strides = array<i32>} : memref<1024xf32, #tpu.memory_space<vmem>>, vector<16xf32>,
    tpu.vector_store %arg6[%swap3A_670], %sub3A_669 {strides = array<i32>} : memref<1024xf32, #tpu.memory_space<vmem>>, vector<16xf32>,
    %get3A_672 = arith.constant 0 : i32
    %get3A_673 = arith.index_cast %get3A_672 : i32 to index
    %get3A_674 = arith.constant 704 : index
    %get3A_675 = tpu.vector_load %arg5[%get3A_673, %get3A_674] {strides = array<i32>} : memref<1x1024xf32, #tpu.memory_space<vmem>>, vector<16xf32>,
    %mul3A_676 = arith.constant 1.200000e+01 : f32
    %mul3A_677 = vector.broadcast %mul3A_676 : f32 to vector<16xf32>
    %mul3A_678 = arith.mulf %get3A_675, %mul3A_677 : vector<16xf32>
    %sub3A_679 = arith.constant 6.000000e+00 : f32
    %sub3A_680 = vector.broadcast %sub3A_679 : f32 to vector<16xf32>
    %sub3A_681 = arith.subf %mul3A_678, %sub3A_680 : vector<16xf32>
    %swap3A_682 = arith.constant 704 : index
    %swap3A_683 = tpu.vector_load %arg6[%swap3A_682] {strides = array<i32>} : memref<1024xf32, #tpu.memory_space<vmem>>, vector<16xf32>,
    tpu.vector_store %arg6[%swap3A_682], %sub3A_681 {strides = array<i32>} : memref<1024xf32, #tpu.memory_space<vmem>>, vector<16xf32>,
    %get3A_684 = arith.constant 0 : i32
    %get3A_685 = arith.index_cast %get3A_684 : i32 to index
    %get3A_686 = arith.constant 720 : index
    %get3A_687 = tpu.vector_load %arg5[%get3A_685, %get3A_686] {strides = array<i32>} : memref<1x1024xf32, #tpu.memory_space<vmem>>, vector<16xf32>,
    %mul3A_688 = arith.constant 1.200000e+01 : f32
    %mul3A_689 = vector.broadcast %mul3A_688 : f32 to vector<16xf32>
    %mul3A_690 = arith.mulf %get3A_687, %mul3A_689 : vector<16xf32>
    %sub3A_691 = arith.constant 6.000000e+00 : f32
    %sub3A_692 = vector.broadcast %sub3A_691 : f32 to vector<16xf32>
    %sub3A_693 = arith.subf %mul3A_690, %sub3A_692 : vector<16xf32>
    %swap3A_694 = arith.constant 720 : index
    %swap3A_695 = tpu.vector_load %arg6[%swap3A_694] {strides = array<i32>} : memref<1024xf32, #tpu.memory_space<vmem>>, vector<16xf32>,
    tpu.vector_store %arg6[%swap3A_694], %sub3A_693 {strides = array<i32>} : memref<1024xf32, #tpu.memory_space<vmem>>, vector<16xf32>,
    %get3A_696 = arith.constant 0 : i32
    %get3A_697 = arith.index_cast %get3A_696 : i32 to index
    %get3A_698 = arith.constant 736 : index
    %get3A_699 = tpu.vector_load %arg5[%get3A_697, %get3A_698] {strides = array<i32>} : memref<1x1024xf32, #tpu.memory_space<vmem>>, vector<16xf32>,
    %mul3A_700 = arith.constant 1.200000e+01 : f32
    %mul3A_701 = vector.broadcast %mul3A_700 : f32 to vector<16xf32>
    %mul3A_702 = arith.mulf %get3A_699, %mul3A_701 : vector<16xf32>
    %sub3A_703 = arith.constant 6.000000e+00 : f32
    %sub3A_704 = vector.broadcast %sub3A_703 : f32 to vector<16xf32>
    %sub3A_705 = arith.subf %mul3A_702, %sub3A_704 : vector<16xf32>
    %swap3A_706 = arith.constant 736 : index
    %swap3A_707 = tpu.vector_load %arg6[%swap3A_706] {strides = array<i32>} : memref<1024xf32, #tpu.memory_space<vmem>>, vector<16xf32>,
    tpu.vector_store %arg6[%swap3A_706], %sub3A_705 {strides = array<i32>} : memref<1024xf32, #tpu.memory_space<vmem>>, vector<16xf32>,
    %get3A_708 = arith.constant 0 : i32
    %get3A_709 = arith.index_cast %get3A_708 : i32 to index
    %get3A_710 = arith.constant 752 : index
    %get3A_711 = tpu.vector_load %arg5[%get3A_709, %get3A_710] {strides = array<i32>} : memref<1x1024xf32, #tpu.memory_space<vmem>>, vector<16xf32>,
    %mul3A_712 = arith.constant 1.200000e+01 : f32
    %mul3A_713 = vector.broadcast %mul3A_712 : f32 to vector<16xf32>
    %mul3A_714 = arith.mulf %get3A_711, %mul3A_713 : vector<16xf32>
    %sub3A_715 = arith.constant 6.000000e+00 : f32
    %sub3A_716 = vector.broadcast %sub3A_715 : f32 to vector<16xf32>
    %sub3A_717 = arith.subf %mul3A_714, %sub3A_716 : vector<16xf32>
    %swap3A_718 = arith.constant 752 : index
    %swap3A_719 = tpu.vector_load %arg6[%swap3A_718] {strides = array<i32>} : memref<1024xf32, #tpu.memory_space<vmem>>, vector<16xf32>,
    tpu.vector_store %arg6[%swap3A_718], %sub3A_717 {strides = array<i32>} : memref<1024xf32, #tpu.memory_space<vmem>>, vector<16xf32>,
    %get3A_720 = arith.constant 0 : i32
    %get3A_721 = arith.index_cast %get3A_720 : i32 to index
    %get3A_722 = arith.constant 768 : index
    %get3A_723 = tpu.vector_load %arg5[%get3A_721, %get3A_722] {strides = array<i32>} : memref<1x1024xf32, #tpu.memory_space<vmem>>, vector<16xf32>,
    %mul3A_724 = arith.constant 1.200000e+01 : f32
    %mul3A_725 = vector.broadcast %mul3A_724 : f32 to vector<16xf32>
    %mul3A_726 = arith.mulf %get3A_723, %mul3A_725 : vector<16xf32>
    %sub3A_727 = arith.constant 6.000000e+00 : f32
    %sub3A_728 = vector.broadcast %sub3A_727 : f32 to vector<16xf32>
    %sub3A_729 = arith.subf %mul3A_726, %sub3A_728 : vector<16xf32>
    %swap3A_730 = arith.constant 768 : index
    %swap3A_731 = tpu.vector_load %arg6[%swap3A_730] {strides = array<i32>} : memref<1024xf32, #tpu.memory_space<vmem>>, vector<16xf32>,
    tpu.vector_store %arg6[%swap3A_730], %sub3A_729 {strides = array<i32>} : memref<1024xf32, #tpu.memory_space<vmem>>, vector<16xf32>,
    %get3A_732 = arith.constant 0 : i32
    %get3A_733 = arith.index_cast %get3A_732 : i32 to index
    %get3A_734 = arith.constant 784 : index
    %get3A_735 = tpu.vector_load %arg5[%get3A_733, %get3A_734] {strides = array<i32>} : memref<1x1024xf32, #tpu.memory_space<vmem>>, vector<16xf32>,
    %mul3A_736 = arith.constant 1.200000e+01 : f32
    %mul3A_737 = vector.broadcast %mul3A_736 : f32 to vector<16xf32>
    %mul3A_738 = arith.mulf %get3A_735, %mul3A_737 : vector<16xf32>
    %sub3A_739 = arith.constant 6.000000e+00 : f32
    %sub3A_740 = vector.broadcast %sub3A_739 : f32 to vector<16xf32>
    %sub3A_741 = arith.subf %mul3A_738, %sub3A_740 : vector<16xf32>
    %swap3A_742 = arith.constant 784 : index
    %swap3A_743 = tpu.vector_load %arg6[%swap3A_742] {strides = array<i32>} : memref<1024xf32, #tpu.memory_space<vmem>>, vector<16xf32>,
    tpu.vector_store %arg6[%swap3A_742], %sub3A_741 {strides = array<i32>} : memref<1024xf32, #tpu.memory_space<vmem>>, vector<16xf32>,
    %get3A_744 = arith.constant 0 : i32
    %get3A_745 = arith.index_cast %get3A_744 : i32 to index
    %get3A_746 = arith.constant 800 : index
    %get3A_747 = tpu.vector_load %arg5[%get3A_745, %get3A_746] {strides = array<i32>} : memref<1x1024xf32, #tpu.memory_space<vmem>>, vector<16xf32>,
    %mul3A_748 = arith.constant 1.200000e+01 : f32
    %mul3A_749 = vector.broadcast %mul3A_748 : f32 to vector<16xf32>
    %mul3A_750 = arith.mulf %get3A_747, %mul3A_749 : vector<16xf32>
    %sub3A_751 = arith.constant 6.000000e+00 : f32
    %sub3A_752 = vector.broadcast %sub3A_751 : f32 to vector<16xf32>
    %sub3A_753 = arith.subf %mul3A_750, %sub3A_752 : vector<16xf32>
    %swap3A_754 = arith.constant 800 : index
    %swap3A_755 = tpu.vector_load %arg6[%swap3A_754] {strides = array<i32>} : memref<1024xf32, #tpu.memory_space<vmem>>, vector<16xf32>,
    tpu.vector_store %arg6[%swap3A_754], %sub3A_753 {strides = array<i32>} : memref<1024xf32, #tpu.memory_space<vmem>>, vector<16xf32>,
    %get3A_756 = arith.constant 0 : i32
    %get3A_757 = arith.index_cast %get3A_756 : i32 to index
    %get3A_758 = arith.constant 816 : index
    %get3A_759 = tpu.vector_load %arg5[%get3A_757, %get3A_758] {strides = array<i32>} : memref<1x1024xf32, #tpu.memory_space<vmem>>, vector<16xf32>,
    %mul3A_760 = arith.constant 1.200000e+01 : f32
    %mul3A_761 = vector.broadcast %mul3A_760 : f32 to vector<16xf32>
    %mul3A_762 = arith.mulf %get3A_759, %mul3A_761 : vector<16xf32>
    %sub3A_763 = arith.constant 6.000000e+00 : f32
    %sub3A_764 = vector.broadcast %sub3A_763 : f32 to vector<16xf32>
    %sub3A_765 = arith.subf %mul3A_762, %sub3A_764 : vector<16xf32>
    %swap3A_766 = arith.constant 816 : index
    %swap3A_767 = tpu.vector_load %arg6[%swap3A_766] {strides = array<i32>} : memref<1024xf32, #tpu.memory_space<vmem>>, vector<16xf32>,
    tpu.vector_store %arg6[%swap3A_766], %sub3A_765 {strides = array<i32>} : memref<1024xf32, #tpu.memory_space<vmem>>, vector<16xf32>,
    %get3A_768 = arith.constant 0 : i32
    %get3A_769 = arith.index_cast %get3A_768 : i32 to index
    %get3A_770 = arith.constant 832 : index
    %get3A_771 = tpu.vector_load %arg5[%get3A_769, %get3A_770] {strides = array<i32>} : memref<1x1024xf32, #tpu.memory_space<vmem>>, vector<16xf32>,
    %mul3A_772 = arith.constant 1.200000e+01 : f32
    %mul3A_773 = vector.broadcast %mul3A_772 : f32 to vector<16xf32>
    %mul3A_774 = arith.mulf %get3A_771, %mul3A_773 : vector<16xf32>
    %sub3A_775 = arith.constant 6.000000e+00 : f32
    %sub3A_776 = vector.broadcast %sub3A_775 : f32 to vector<16xf32>
    %sub3A_777 = arith.subf %mul3A_774, %sub3A_776 : vector<16xf32>
    %swap3A_778 = arith.constant 832 : index
    %swap3A_779 = tpu.vector_load %arg6[%swap3A_778] {strides = array<i32>} : memref<1024xf32, #tpu.memory_space<vmem>>, vector<16xf32>,
    tpu.vector_store %arg6[%swap3A_778], %sub3A_777 {strides = array<i32>} : memref<1024xf32, #tpu.memory_space<vmem>>, vector<16xf32>,
    %get3A_780 = arith.constant 0 : i32
    %get3A_781 = arith.index_cast %get3A_780 : i32 to index
    %get3A_782 = arith.constant 848 : index
    %get3A_783 = tpu.vector_load %arg5[%get3A_781, %get3A_782] {strides = array<i32>} : memref<1x1024xf32, #tpu.memory_space<vmem>>, vector<16xf32>,
    %mul3A_784 = arith.constant 1.200000e+01 : f32
    %mul3A_785 = vector.broadcast %mul3A_784 : f32 to vector<16xf32>
    %mul3A_786 = arith.mulf %get3A_783, %mul3A_785 : vector<16xf32>
    %sub3A_787 = arith.constant 6.000000e+00 : f32
    %sub3A_788 = vector.broadcast %sub3A_787 : f32 to vector<16xf32>
    %sub3A_789 = arith.subf %mul3A_786, %sub3A_788 : vector<16xf32>
    %swap3A_790 = arith.constant 848 : index
    %swap3A_791 = tpu.vector_load %arg6[%swap3A_790] {strides = array<i32>} : memref<1024xf32, #tpu.memory_space<vmem>>, vector<16xf32>,
    tpu.vector_store %arg6[%swap3A_790], %sub3A_789 {strides = array<i32>} : memref<1024xf32, #tpu.memory_space<vmem>>, vector<16xf32>,
    %get3A_792 = arith.constant 0 : i32
    %get3A_793 = arith.index_cast %get3A_792 : i32 to index
    %get3A_794 = arith.constant 864 : index
    %get3A_795 = tpu.vector_load %arg5[%get3A_793, %get3A_794] {strides = array<i32>} : memref<1x1024xf32, #tpu.memory_space<vmem>>, vector<16xf32>,
    %mul3A_796 = arith.constant 1.200000e+01 : f32
    %mul3A_797 = vector.broadcast %mul3A_796 : f32 to vector<16xf32>
    %mul3A_798 = arith.mulf %get3A_795, %mul3A_797 : vector<16xf32>
    %sub3A_799 = arith.constant 6.000000e+00 : f32
    %sub3A_800 = vector.broadcast %sub3A_799 : f32 to vector<16xf32>
    %sub3A_801 = arith.subf %mul3A_798, %sub3A_800 : vector<16xf32>
    %swap3A_802 = arith.constant 864 : index
    %swap3A_803 = tpu.vector_load %arg6[%swap3A_802] {strides = array<i32>} : memref<1024xf32, #tpu.memory_space<vmem>>, vector<16xf32>,
    tpu.vector_store %arg6[%swap3A_802], %sub3A_801 {strides = array<i32>} : memref<1024xf32, #tpu.memory_space<vmem>>, vector<16xf32>,
    %get3A_804 = arith.constant 0 : i32
    %get3A_805 = arith.index_cast %get3A_804 : i32 to index
    %get3A_806 = arith.constant 880 : index
    %get3A_807 = tpu.vector_load %arg5[%get3A_805, %get3A_806] {strides = array<i32>} : memref<1x1024xf32, #tpu.memory_space<vmem>>, vector<16xf32>,
    %mul3A_808 = arith.constant 1.200000e+01 : f32
    %mul3A_809 = vector.broadcast %mul3A_808 : f32 to vector<16xf32>
    %mul3A_810 = arith.mulf %get3A_807, %mul3A_809 : vector<16xf32>
    %sub3A_811 = arith.constant 6.000000e+00 : f32
    %sub3A_812 = vector.broadcast %sub3A_811 : f32 to vector<16xf32>
    %sub3A_813 = arith.subf %mul3A_810, %sub3A_812 : vector<16xf32>
    %swap3A_814 = arith.constant 880 : index
    %swap3A_815 = tpu.vector_load %arg6[%swap3A_814] {strides = array<i32>} : memref<1024xf32, #tpu.memory_space<vmem>>, vector<16xf32>,
    tpu.vector_store %arg6[%swap3A_814], %sub3A_813 {strides = array<i32>} : memref<1024xf32, #tpu.memory_space<vmem>>, vector<16xf32>,
    %get3A_816 = arith.constant 0 : i32
    %get3A_817 = arith.index_cast %get3A_816 : i32 to index
    %get3A_818 = arith.constant 896 : index
    %get3A_819 = tpu.vector_load %arg5[%get3A_817, %get3A_818] {strides = array<i32>} : memref<1x1024xf32, #tpu.memory_space<vmem>>, vector<16xf32>,
    %mul3A_820 = arith.constant 1.200000e+01 : f32
    %mul3A_821 = vector.broadcast %mul3A_820 : f32 to vector<16xf32>
    %mul3A_822 = arith.mulf %get3A_819, %mul3A_821 : vector<16xf32>
    %sub3A_823 = arith.constant 6.000000e+00 : f32
    %sub3A_824 = vector.broadcast %sub3A_823 : f32 to vector<16xf32>
    %sub3A_825 = arith.subf %mul3A_822, %sub3A_824 : vector<16xf32>
    %swap3A_826 = arith.constant 896 : index
    %swap3A_827 = tpu.vector_load %arg6[%swap3A_826] {strides = array<i32>} : memref<1024xf32, #tpu.memory_space<vmem>>, vector<16xf32>,
    tpu.vector_store %arg6[%swap3A_826], %sub3A_825 {strides = array<i32>} : memref<1024xf32, #tpu.memory_space<vmem>>, vector<16xf32>,
    %get3A_828 = arith.constant 0 : i32
    %get3A_829 = arith.index_cast %get3A_828 : i32 to index
    %get3A_830 = arith.constant 912 : index
    %get3A_831 = tpu.vector_load %arg5[%get3A_829, %get3A_830] {strides = array<i32>} : memref<1x1024xf32, #tpu.memory_space<vmem>>, vector<16xf32>,
    %mul3A_832 = arith.constant 1.200000e+01 : f32
    %mul3A_833 = vector.broadcast %mul3A_832 : f32 to vector<16xf32>
    %mul3A_834 = arith.mulf %get3A_831, %mul3A_833 : vector<16xf32>
    %sub3A_835 = arith.constant 6.000000e+00 : f32
    %sub3A_836 = vector.broadcast %sub3A_835 : f32 to vector<16xf32>
    %sub3A_837 = arith.subf %mul3A_834, %sub3A_836 : vector<16xf32>
    %swap3A_838 = arith.constant 912 : index
    %swap3A_839 = tpu.vector_load %arg6[%swap3A_838] {strides = array<i32>} : memref<1024xf32, #tpu.memory_space<vmem>>, vector<16xf32>,
    tpu.vector_store %arg6[%swap3A_838], %sub3A_837 {strides = array<i32>} : memref<1024xf32, #tpu.memory_space<vmem>>, vector<16xf32>,
    %get3A_840 = arith.constant 0 : i32
    %get3A_841 = arith.index_cast %get3A_840 : i32 to index
    %get3A_842 = arith.constant 928 : index
    %get3A_843 = tpu.vector_load %arg5[%get3A_841, %get3A_842] {strides = array<i32>} : memref<1x1024xf32, #tpu.memory_space<vmem>>, vector<16xf32>,
    %mul3A_844 = arith.constant 1.200000e+01 : f32
    %mul3A_845 = vector.broadcast %mul3A_844 : f32 to vector<16xf32>
    %mul3A_846 = arith.mulf %get3A_843, %mul3A_845 : vector<16xf32>
    %sub3A_847 = arith.constant 6.000000e+00 : f32
    %sub3A_848 = vector.broadcast %sub3A_847 : f32 to vector<16xf32>
    %sub3A_849 = arith.subf %mul3A_846, %sub3A_848 : vector<16xf32>
    %swap3A_850 = arith.constant 928 : index
    %swap3A_851 = tpu.vector_load %arg6[%swap3A_850] {strides = array<i32>} : memref<1024xf32, #tpu.memory_space<vmem>>, vector<16xf32>,
    tpu.vector_store %arg6[%swap3A_850], %sub3A_849 {strides = array<i32>} : memref<1024xf32, #tpu.memory_space<vmem>>, vector<16xf32>,
    %get3A_852 = arith.constant 0 : i32
    %get3A_853 = arith.index_cast %get3A_852 : i32 to index
    %get3A_854 = arith.constant 944 : index
    %get3A_855 = tpu.vector_load %arg5[%get3A_853, %get3A_854] {strides = array<i32>} : memref<1x1024xf32, #tpu.memory_space<vmem>>, vector<16xf32>,
    %mul3A_856 = arith.constant 1.200000e+01 : f32
    %mul3A_857 = vector.broadcast %mul3A_856 : f32 to vector<16xf32>
    %mul3A_858 = arith.mulf %get3A_855, %mul3A_857 : vector<16xf32>
    %sub3A_859 = arith.constant 6.000000e+00 : f32
    %sub3A_860 = vector.broadcast %sub3A_859 : f32 to vector<16xf32>
    %sub3A_861 = arith.subf %mul3A_858, %sub3A_860 : vector<16xf32>
    %swap3A_862 = arith.constant 944 : index
    %swap3A_863 = tpu.vector_load %arg6[%swap3A_862] {strides = array<i32>} : memref<1024xf32, #tpu.memory_space<vmem>>, vector<16xf32>,
    tpu.vector_store %arg6[%swap3A_862], %sub3A_861 {strides = array<i32>} : memref<1024xf32, #tpu.memory_space<vmem>>, vector<16xf32>,
    %get3A_864 = arith.constant 0 : i32
    %get3A_865 = arith.index_cast %get3A_864 : i32 to index
    %get3A_866 = arith.constant 960 : index
    %get3A_867 = tpu.vector_load %arg5[%get3A_865, %get3A_866] {strides = array<i32>} : memref<1x1024xf32, #tpu.memory_space<vmem>>, vector<16xf32>,
    %mul3A_868 = arith.constant 1.200000e+01 : f32
    %mul3A_869 = vector.broadcast %mul3A_868 : f32 to vector<16xf32>
    %mul3A_870 = arith.mulf %get3A_867, %mul3A_869 : vector<16xf32>
    %sub3A_871 = arith.constant 6.000000e+00 : f32
    %sub3A_872 = vector.broadcast %sub3A_871 : f32 to vector<16xf32>
    %sub3A_873 = arith.subf %mul3A_870, %sub3A_872 : vector<16xf32>
    %swap3A_874 = arith.constant 960 : index
    %swap3A_875 = tpu.vector_load %arg6[%swap3A_874] {strides = array<i32>} : memref<1024xf32, #tpu.memory_space<vmem>>, vector<16xf32>,
    tpu.vector_store %arg6[%swap3A_874], %sub3A_873 {strides = array<i32>} : memref<1024xf32, #tpu.memory_space<vmem>>, vector<16xf32>,
    %get3A_876 = arith.constant 0 : i32
    %get3A_877 = arith.index_cast %get3A_876 : i32 to index
    %get3A_878 = arith.constant 976 : index
    %get3A_879 = tpu.vector_load %arg5[%get3A_877, %get3A_878] {strides = array<i32>} : memref<1x1024xf32, #tpu.memory_space<vmem>>, vector<16xf32>,
    %mul3A_880 = arith.constant 1.200000e+01 : f32
    %mul3A_881 = vector.broadcast %mul3A_880 : f32 to vector<16xf32>
    %mul3A_882 = arith.mulf %get3A_879, %mul3A_881 : vector<16xf32>
    %sub3A_883 = arith.constant 6.000000e+00 : f32
    %sub3A_884 = vector.broadcast %sub3A_883 : f32 to vector<16xf32>
    %sub3A_885 = arith.subf %mul3A_882, %sub3A_884 : vector<16xf32>
    %swap3A_886 = arith.constant 976 : index
    %swap3A_887 = tpu.vector_load %arg6[%swap3A_886] {strides = array<i32>} : memref<1024xf32, #tpu.memory_space<vmem>>, vector<16xf32>,
    tpu.vector_store %arg6[%swap3A_886], %sub3A_885 {strides = array<i32>} : memref<1024xf32, #tpu.memory_space<vmem>>, vector<16xf32>,
    %get3A_888 = arith.constant 0 : i32
    %get3A_889 = arith.index_cast %get3A_888 : i32 to index
    %get3A_890 = arith.constant 992 : index
    %get3A_891 = tpu.vector_load %arg5[%get3A_889, %get3A_890] {strides = array<i32>} : memref<1x1024xf32, #tpu.memory_space<vmem>>, vector<16xf32>,
    %mul3A_892 = arith.constant 1.200000e+01 : f32
    %mul3A_893 = vector.broadcast %mul3A_892 : f32 to vector<16xf32>
    %mul3A_894 = arith.mulf %get3A_891, %mul3A_893 : vector<16xf32>
    %sub3A_895 = arith.constant 6.000000e+00 : f32
    %sub3A_896 = vector.broadcast %sub3A_895 : f32 to vector<16xf32>
    %sub3A_897 = arith.subf %mul3A_894, %sub3A_896 : vector<16xf32>
    %swap3A_898 = arith.constant 992 : index
    %swap3A_899 = tpu.vector_load %arg6[%swap3A_898] {strides = array<i32>} : memref<1024xf32, #tpu.memory_space<vmem>>, vector<16xf32>,
    tpu.vector_store %arg6[%swap3A_898], %sub3A_897 {strides = array<i32>} : memref<1024xf32, #tpu.memory_space<vmem>>, vector<16xf32>,
    %get3A_900 = arith.constant 0 : i32
    %get3A_901 = arith.index_cast %get3A_900 : i32 to index
    %get3A_902 = arith.constant 1008 : index
    %get3A_903 = tpu.vector_load %arg5[%get3A_901, %get3A_902] {strides = array<i32>} : memref<1x1024xf32, #tpu.memory_space<vmem>>, vector<16xf32>,
    %mul3A_904 = arith.constant 1.200000e+01 : f32
    %mul3A_905 = vector.broadcast %mul3A_904 : f32 to vector<16xf32>
    %mul3A_906 = arith.mulf %get3A_903, %mul3A_905 : vector<16xf32>
    %sub3A_907 = arith.constant 6.000000e+00 : f32
    %sub3A_908 = vector.broadcast %sub3A_907 : f32 to vector<16xf32>
    %sub3A_909 = arith.subf %mul3A_906, %sub3A_908 : vector<16xf32>
    %swap3A_910 = arith.constant 1008 : index
    %swap3A_911 = tpu.vector_load %arg6[%swap3A_910] {strides = array<i32>} : memref<1024xf32, #tpu.memory_space<vmem>>, vector<16xf32>,
    tpu.vector_store %arg6[%swap3A_910], %sub3A_909 {strides = array<i32>} : memref<1024xf32, #tpu.memory_space<vmem>>, vector<16xf32>,
    %mul3A_912 = arith.constant 1024 : i32
    %mul3A_913 = arith.muli %arg1, %mul3A_912 : i32
    "tpu.region"() ({
      %run_scoped3A = tpu.sem_alloc : memref<!tpu.dma_semaphore, #tpu.memory_space<semaphore_mem>>
      %dma_start3A_917 = tpu.memref_slice %arg3[%mul3A_913] : memref<17408xf32, #tpu.memory_space<hbm>> -> memref<1024xf32, #tpu.memory_space<hbm>>
      %dma_start3A_918 = tpu.memref_slice %arg3[%mul3A_913] : memref<17408xf32, #tpu.memory_space<hbm>> -> memref<1024xf32, #tpu.memory_space<hbm>>
      tpu.enqueue_dma source(%arg6 : memref<1024xf32, #tpu.memory_space<vmem>>) target(%dma_start3A_918 : memref<1024xf32, #tpu.memory_space<hbm>>) target_semaphore(%run_scoped3A : memref<!tpu.dma_semaphore, #tpu.memory_space<semaphore_mem>>)
      %dma_wait3A_919 = tpu.memref_slice %arg3[%mul3A_913] : memref<17408xf32, #tpu.memory_space<hbm>> -> memref<1024xf32, #tpu.memory_space<hbm>>
      %dma_wait3A_920 = tpu.memref_slice %arg3[%mul3A_913] : memref<17408xf32, #tpu.memory_space<hbm>> -> memref<1024xf32, #tpu.memory_space<hbm>>
      tpu.wait_dma2 semaphore(%run_scoped3A : memref<!tpu.dma_semaphore, #tpu.memory_space<semaphore_mem>>) src(%arg6 : memref<1024xf32, #tpu.memory_space<vmem>>) dst(%dma_wait3A_920 : memref<1024xf32, #tpu.memory_space<hbm>>)
      tpu.yield
    }) : () -> ()
    %eq3A_914 = arith.constant 0 : i32
    %eq3A_915 = arith.cmpi eq, %arg1, %eq3A_914 : i32
    %convert_element_type3A = arith.extui %eq3A_915 : i1 to i32
    %cond3A = arith.constant 0 : i32
    %cond3A_916 = arith.cmpi ne, %convert_element_type3A, %cond3A : i32
    scf.if %cond3A_916 {
      %dma_start3A_917 = arith.constant 128 : i32
      %dma_start3A_918 = tpu.memref_slice %arg4[%dma_start3A_917] : memref<144xi32, #tpu.memory_space<vmem>> -> memref<1xi32, #tpu.memory_space<vmem>>
      %dma_start3A_919 = arith.constant 0 : i32
      %dma_start3A_920 = arith.constant 0 : i32
      %dma_start3A_921 = tpu.memref_slice %arg2[%dma_start3A_919, %dma_start3A_920] : memref<100000x1024xf32, #tpu.memory_space<hbm>> -> memref<100000x1024xf32, #tpu.memory_space<hbm>>
      tpu.enqueue_indirect_dma source(%dma_start3A_921 : memref<100000x1024xf32, #tpu.memory_space<hbm>>) target(%arg5 : memref<1x1024xf32, #tpu.memory_space<vmem>>) offsets(%dma_start3A_918 : memref<1xi32, #tpu.memory_space<vmem>>) semaphore(%arg7 : memref<!tpu.dma_semaphore, #tpu.memory_space<semaphore_mem>>)
      %dma_wait3A_922 = arith.constant 128 : i32
      %dma_wait3A_923 = tpu.memref_slice %arg4[%dma_wait3A_922] : memref<144xi32, #tpu.memory_space<vmem>> -> memref<1xi32, #tpu.memory_space<vmem>>
      %dma_wait3A_924 = arith.constant 0 : i32
      %dma_wait3A_925 = arith.constant 0 : i32
      %dma_wait3A_926 = tpu.memref_slice %arg2[%dma_wait3A_924, %dma_wait3A_925] : memref<100000x1024xf32, #tpu.memory_space<hbm>> -> memref<100000x1024xf32, #tpu.memory_space<hbm>>
      tpu.wait_indirect_dma semaphore(%arg7 : memref<!tpu.dma_semaphore, #tpu.memory_space<semaphore_mem>>) src(%dma_wait3A_926 : memref<100000x1024xf32, #tpu.memory_space<hbm>>) dst(%arg5 : memref<1x1024xf32, #tpu.memory_space<vmem>>)
      %get3A_927 = arith.constant 0 : i32
      %get3A_928 = arith.index_cast %get3A_927 : i32 to index
      %get3A_929 = arith.constant 0 : index
      %get3A_930 = tpu.vector_load %arg5[%get3A_928, %get3A_929] {strides = array<i32>} : memref<1x1024xf32, #tpu.memory_space<vmem>>, vector<16xf32>,
      %mul3A_931 = arith.constant 1.200000e+01 : f32
      %mul3A_932 = vector.broadcast %mul3A_931 : f32 to vector<16xf32>
      %mul3A_933 = arith.mulf %get3A_930, %mul3A_932 : vector<16xf32>
      %sub3A_934 = arith.constant 6.000000e+00 : f32
      %sub3A_935 = vector.broadcast %sub3A_934 : f32 to vector<16xf32>
      %sub3A_936 = arith.subf %mul3A_933, %sub3A_935 : vector<16xf32>
      %swap3A_937 = arith.constant 0 : index
      %swap3A_938 = tpu.vector_load %arg6[%swap3A_937] {strides = array<i32>} : memref<1024xf32, #tpu.memory_space<vmem>>, vector<16xf32>,
      tpu.vector_store %arg6[%swap3A_937], %sub3A_936 {strides = array<i32>} : memref<1024xf32, #tpu.memory_space<vmem>>, vector<16xf32>,
      %get3A_939 = arith.constant 0 : i32
      %get3A_940 = arith.index_cast %get3A_939 : i32 to index
      %get3A_941 = arith.constant 16 : index
      %get3A_942 = tpu.vector_load %arg5[%get3A_940, %get3A_941] {strides = array<i32>} : memref<1x1024xf32, #tpu.memory_space<vmem>>, vector<16xf32>,
      %mul3A_943 = arith.constant 1.200000e+01 : f32
      %mul3A_944 = vector.broadcast %mul3A_943 : f32 to vector<16xf32>
      %mul3A_945 = arith.mulf %get3A_942, %mul3A_944 : vector<16xf32>
      %sub3A_946 = arith.constant 6.000000e+00 : f32
      %sub3A_947 = vector.broadcast %sub3A_946 : f32 to vector<16xf32>
      %sub3A_948 = arith.subf %mul3A_945, %sub3A_947 : vector<16xf32>
      %swap3A_949 = arith.constant 16 : index
      %swap3A_950 = tpu.vector_load %arg6[%swap3A_949] {strides = array<i32>} : memref<1024xf32, #tpu.memory_space<vmem>>, vector<16xf32>,
      tpu.vector_store %arg6[%swap3A_949], %sub3A_948 {strides = array<i32>} : memref<1024xf32, #tpu.memory_space<vmem>>, vector<16xf32>,
      %get3A_951 = arith.constant 0 : i32
      %get3A_952 = arith.index_cast %get3A_951 : i32 to index
      %get3A_953 = arith.constant 32 : index
      %get3A_954 = tpu.vector_load %arg5[%get3A_952, %get3A_953] {strides = array<i32>} : memref<1x1024xf32, #tpu.memory_space<vmem>>, vector<16xf32>,
      %mul3A_955 = arith.constant 1.200000e+01 : f32
      %mul3A_956 = vector.broadcast %mul3A_955 : f32 to vector<16xf32>
      %mul3A_957 = arith.mulf %get3A_954, %mul3A_956 : vector<16xf32>
      %sub3A_958 = arith.constant 6.000000e+00 : f32
      %sub3A_959 = vector.broadcast %sub3A_958 : f32 to vector<16xf32>
      %sub3A_960 = arith.subf %mul3A_957, %sub3A_959 : vector<16xf32>
      %swap3A_961 = arith.constant 32 : index
      %swap3A_962 = tpu.vector_load %arg6[%swap3A_961] {strides = array<i32>} : memref<1024xf32, #tpu.memory_space<vmem>>, vector<16xf32>,
      tpu.vector_store %arg6[%swap3A_961], %sub3A_960 {strides = array<i32>} : memref<1024xf32, #tpu.memory_space<vmem>>, vector<16xf32>,
      %get3A_963 = arith.constant 0 : i32
      %get3A_964 = arith.index_cast %get3A_963 : i32 to index
      %get3A_965 = arith.constant 48 : index
      %get3A_966 = tpu.vector_load %arg5[%get3A_964, %get3A_965] {strides = array<i32>} : memref<1x1024xf32, #tpu.memory_space<vmem>>, vector<16xf32>,
      %mul3A_967 = arith.constant 1.200000e+01 : f32
      %mul3A_968 = vector.broadcast %mul3A_967 : f32 to vector<16xf32>
      %mul3A_969 = arith.mulf %get3A_966, %mul3A_968 : vector<16xf32>
      %sub3A_970 = arith.constant 6.000000e+00 : f32
      %sub3A_971 = vector.broadcast %sub3A_970 : f32 to vector<16xf32>
      %sub3A_972 = arith.subf %mul3A_969, %sub3A_971 : vector<16xf32>
      %swap3A_973 = arith.constant 48 : index
      %swap3A_974 = tpu.vector_load %arg6[%swap3A_973] {strides = array<i32>} : memref<1024xf32, #tpu.memory_space<vmem>>, vector<16xf32>,
      tpu.vector_store %arg6[%swap3A_973], %sub3A_972 {strides = array<i32>} : memref<1024xf32, #tpu.memory_space<vmem>>, vector<16xf32>,
      %get3A_975 = arith.constant 0 : i32
      %get3A_976 = arith.index_cast %get3A_975 : i32 to index
      %get3A_977 = arith.constant 64 : index
      %get3A_978 = tpu.vector_load %arg5[%get3A_976, %get3A_977] {strides = array<i32>} : memref<1x1024xf32, #tpu.memory_space<vmem>>, vector<16xf32>,
      %mul3A_979 = arith.constant 1.200000e+01 : f32
      %mul3A_980 = vector.broadcast %mul3A_979 : f32 to vector<16xf32>
      %mul3A_981 = arith.mulf %get3A_978, %mul3A_980 : vector<16xf32>
      %sub3A_982 = arith.constant 6.000000e+00 : f32
      %sub3A_983 = vector.broadcast %sub3A_982 : f32 to vector<16xf32>
      %sub3A_984 = arith.subf %mul3A_981, %sub3A_983 : vector<16xf32>
      %swap3A_985 = arith.constant 64 : index
      %swap3A_986 = tpu.vector_load %arg6[%swap3A_985] {strides = array<i32>} : memref<1024xf32, #tpu.memory_space<vmem>>, vector<16xf32>,
      tpu.vector_store %arg6[%swap3A_985], %sub3A_984 {strides = array<i32>} : memref<1024xf32, #tpu.memory_space<vmem>>, vector<16xf32>,
      %get3A_987 = arith.constant 0 : i32
      %get3A_988 = arith.index_cast %get3A_987 : i32 to index
      %get3A_989 = arith.constant 80 : index
      %get3A_990 = tpu.vector_load %arg5[%get3A_988, %get3A_989] {strides = array<i32>} : memref<1x1024xf32, #tpu.memory_space<vmem>>, vector<16xf32>,
      %mul3A_991 = arith.constant 1.200000e+01 : f32
      %mul3A_992 = vector.broadcast %mul3A_991 : f32 to vector<16xf32>
      %mul3A_993 = arith.mulf %get3A_990, %mul3A_992 : vector<16xf32>
      %sub3A_994 = arith.constant 6.000000e+00 : f32
      %sub3A_995 = vector.broadcast %sub3A_994 : f32 to vector<16xf32>
      %sub3A_996 = arith.subf %mul3A_993, %sub3A_995 : vector<16xf32>
      %swap3A_997 = arith.constant 80 : index
      %swap3A_998 = tpu.vector_load %arg6[%swap3A_997] {strides = array<i32>} : memref<1024xf32, #tpu.memory_space<vmem>>, vector<16xf32>,
      tpu.vector_store %arg6[%swap3A_997], %sub3A_996 {strides = array<i32>} : memref<1024xf32, #tpu.memory_space<vmem>>, vector<16xf32>,
      %get3A_999 = arith.constant 0 : i32
      %get3A_1000 = arith.index_cast %get3A_999 : i32 to index
      %get3A_1001 = arith.constant 96 : index
      %get3A_1002 = tpu.vector_load %arg5[%get3A_1000, %get3A_1001] {strides = array<i32>} : memref<1x1024xf32, #tpu.memory_space<vmem>>, vector<16xf32>,
      %mul3A_1003 = arith.constant 1.200000e+01 : f32
      %mul3A_1004 = vector.broadcast %mul3A_1003 : f32 to vector<16xf32>
      %mul3A_1005 = arith.mulf %get3A_1002, %mul3A_1004 : vector<16xf32>
      %sub3A_1006 = arith.constant 6.000000e+00 : f32
      %sub3A_1007 = vector.broadcast %sub3A_1006 : f32 to vector<16xf32>
      %sub3A_1008 = arith.subf %mul3A_1005, %sub3A_1007 : vector<16xf32>
      %swap3A_1009 = arith.constant 96 : index
      %swap3A_1010 = tpu.vector_load %arg6[%swap3A_1009] {strides = array<i32>} : memref<1024xf32, #tpu.memory_space<vmem>>, vector<16xf32>,
      tpu.vector_store %arg6[%swap3A_1009], %sub3A_1008 {strides = array<i32>} : memref<1024xf32, #tpu.memory_space<vmem>>, vector<16xf32>,
      %get3A_1011 = arith.constant 0 : i32
      %get3A_1012 = arith.index_cast %get3A_1011 : i32 to index
      %get3A_1013 = arith.constant 112 : index
      %get3A_1014 = tpu.vector_load %arg5[%get3A_1012, %get3A_1013] {strides = array<i32>} : memref<1x1024xf32, #tpu.memory_space<vmem>>, vector<16xf32>,
      %mul3A_1015 = arith.constant 1.200000e+01 : f32
      %mul3A_1016 = vector.broadcast %mul3A_1015 : f32 to vector<16xf32>
      %mul3A_1017 = arith.mulf %get3A_1014, %mul3A_1016 : vector<16xf32>
      %sub3A_1018 = arith.constant 6.000000e+00 : f32
      %sub3A_1019 = vector.broadcast %sub3A_1018 : f32 to vector<16xf32>
      %sub3A_1020 = arith.subf %mul3A_1017, %sub3A_1019 : vector<16xf32>
      %swap3A_1021 = arith.constant 112 : index
      %swap3A_1022 = tpu.vector_load %arg6[%swap3A_1021] {strides = array<i32>} : memref<1024xf32, #tpu.memory_space<vmem>>, vector<16xf32>,
      tpu.vector_store %arg6[%swap3A_1021], %sub3A_1020 {strides = array<i32>} : memref<1024xf32, #tpu.memory_space<vmem>>, vector<16xf32>,
      %get3A_1023 = arith.constant 0 : i32
      %get3A_1024 = arith.index_cast %get3A_1023 : i32 to index
      %get3A_1025 = arith.constant 128 : index
      %get3A_1026 = tpu.vector_load %arg5[%get3A_1024, %get3A_1025] {strides = array<i32>} : memref<1x1024xf32, #tpu.memory_space<vmem>>, vector<16xf32>,
      %mul3A_1027 = arith.constant 1.200000e+01 : f32
      %mul3A_1028 = vector.broadcast %mul3A_1027 : f32 to vector<16xf32>
      %mul3A_1029 = arith.mulf %get3A_1026, %mul3A_1028 : vector<16xf32>
      %sub3A_1030 = arith.constant 6.000000e+00 : f32
      %sub3A_1031 = vector.broadcast %sub3A_1030 : f32 to vector<16xf32>
      %sub3A_1032 = arith.subf %mul3A_1029, %sub3A_1031 : vector<16xf32>
      %swap3A_1033 = arith.constant 128 : index
      %swap3A_1034 = tpu.vector_load %arg6[%swap3A_1033] {strides = array<i32>} : memref<1024xf32, #tpu.memory_space<vmem>>, vector<16xf32>,
      tpu.vector_store %arg6[%swap3A_1033], %sub3A_1032 {strides = array<i32>} : memref<1024xf32, #tpu.memory_space<vmem>>, vector<16xf32>,
      %get3A_1035 = arith.constant 0 : i32
      %get3A_1036 = arith.index_cast %get3A_1035 : i32 to index
      %get3A_1037 = arith.constant 144 : index
      %get3A_1038 = tpu.vector_load %arg5[%get3A_1036, %get3A_1037] {strides = array<i32>} : memref<1x1024xf32, #tpu.memory_space<vmem>>, vector<16xf32>,
      %mul3A_1039 = arith.constant 1.200000e+01 : f32
      %mul3A_1040 = vector.broadcast %mul3A_1039 : f32 to vector<16xf32>
      %mul3A_1041 = arith.mulf %get3A_1038, %mul3A_1040 : vector<16xf32>
      %sub3A_1042 = arith.constant 6.000000e+00 : f32
      %sub3A_1043 = vector.broadcast %sub3A_1042 : f32 to vector<16xf32>
      %sub3A_1044 = arith.subf %mul3A_1041, %sub3A_1043 : vector<16xf32>
      %swap3A_1045 = arith.constant 144 : index
      %swap3A_1046 = tpu.vector_load %arg6[%swap3A_1045] {strides = array<i32>} : memref<1024xf32, #tpu.memory_space<vmem>>, vector<16xf32>,
      tpu.vector_store %arg6[%swap3A_1045], %sub3A_1044 {strides = array<i32>} : memref<1024xf32, #tpu.memory_space<vmem>>, vector<16xf32>,
      %get3A_1047 = arith.constant 0 : i32
      %get3A_1048 = arith.index_cast %get3A_1047 : i32 to index
      %get3A_1049 = arith.constant 160 : index
      %get3A_1050 = tpu.vector_load %arg5[%get3A_1048, %get3A_1049] {strides = array<i32>} : memref<1x1024xf32, #tpu.memory_space<vmem>>, vector<16xf32>,
      %mul3A_1051 = arith.constant 1.200000e+01 : f32
      %mul3A_1052 = vector.broadcast %mul3A_1051 : f32 to vector<16xf32>
      %mul3A_1053 = arith.mulf %get3A_1050, %mul3A_1052 : vector<16xf32>
      %sub3A_1054 = arith.constant 6.000000e+00 : f32
      %sub3A_1055 = vector.broadcast %sub3A_1054 : f32 to vector<16xf32>
      %sub3A_1056 = arith.subf %mul3A_1053, %sub3A_1055 : vector<16xf32>
      %swap3A_1057 = arith.constant 160 : index
      %swap3A_1058 = tpu.vector_load %arg6[%swap3A_1057] {strides = array<i32>} : memref<1024xf32, #tpu.memory_space<vmem>>, vector<16xf32>,
      tpu.vector_store %arg6[%swap3A_1057], %sub3A_1056 {strides = array<i32>} : memref<1024xf32, #tpu.memory_space<vmem>>, vector<16xf32>,
      %get3A_1059 = arith.constant 0 : i32
      %get3A_1060 = arith.index_cast %get3A_1059 : i32 to index
      %get3A_1061 = arith.constant 176 : index
      %get3A_1062 = tpu.vector_load %arg5[%get3A_1060, %get3A_1061] {strides = array<i32>} : memref<1x1024xf32, #tpu.memory_space<vmem>>, vector<16xf32>,
      %mul3A_1063 = arith.constant 1.200000e+01 : f32
      %mul3A_1064 = vector.broadcast %mul3A_1063 : f32 to vector<16xf32>
      %mul3A_1065 = arith.mulf %get3A_1062, %mul3A_1064 : vector<16xf32>
      %sub3A_1066 = arith.constant 6.000000e+00 : f32
      %sub3A_1067 = vector.broadcast %sub3A_1066 : f32 to vector<16xf32>
      %sub3A_1068 = arith.subf %mul3A_1065, %sub3A_1067 : vector<16xf32>
      %swap3A_1069 = arith.constant 176 : index
      %swap3A_1070 = tpu.vector_load %arg6[%swap3A_1069] {strides = array<i32>} : memref<1024xf32, #tpu.memory_space<vmem>>, vector<16xf32>,
      tpu.vector_store %arg6[%swap3A_1069], %sub3A_1068 {strides = array<i32>} : memref<1024xf32, #tpu.memory_space<vmem>>, vector<16xf32>,
      %get3A_1071 = arith.constant 0 : i32
      %get3A_1072 = arith.index_cast %get3A_1071 : i32 to index
      %get3A_1073 = arith.constant 192 : index
      %get3A_1074 = tpu.vector_load %arg5[%get3A_1072, %get3A_1073] {strides = array<i32>} : memref<1x1024xf32, #tpu.memory_space<vmem>>, vector<16xf32>,
      %mul3A_1075 = arith.constant 1.200000e+01 : f32
      %mul3A_1076 = vector.broadcast %mul3A_1075 : f32 to vector<16xf32>
      %mul3A_1077 = arith.mulf %get3A_1074, %mul3A_1076 : vector<16xf32>
      %sub3A_1078 = arith.constant 6.000000e+00 : f32
      %sub3A_1079 = vector.broadcast %sub3A_1078 : f32 to vector<16xf32>
      %sub3A_1080 = arith.subf %mul3A_1077, %sub3A_1079 : vector<16xf32>
      %swap3A_1081 = arith.constant 192 : index
      %swap3A_1082 = tpu.vector_load %arg6[%swap3A_1081] {strides = array<i32>} : memref<1024xf32, #tpu.memory_space<vmem>>, vector<16xf32>,
      tpu.vector_store %arg6[%swap3A_1081], %sub3A_1080 {strides = array<i32>} : memref<1024xf32, #tpu.memory_space<vmem>>, vector<16xf32>,
      %get3A_1083 = arith.constant 0 : i32
      %get3A_1084 = arith.index_cast %get3A_1083 : i32 to index
      %get3A_1085 = arith.constant 208 : index
      %get3A_1086 = tpu.vector_load %arg5[%get3A_1084, %get3A_1085] {strides = array<i32>} : memref<1x1024xf32, #tpu.memory_space<vmem>>, vector<16xf32>,
      %mul3A_1087 = arith.constant 1.200000e+01 : f32
      %mul3A_1088 = vector.broadcast %mul3A_1087 : f32 to vector<16xf32>
      %mul3A_1089 = arith.mulf %get3A_1086, %mul3A_1088 : vector<16xf32>
      %sub3A_1090 = arith.constant 6.000000e+00 : f32
      %sub3A_1091 = vector.broadcast %sub3A_1090 : f32 to vector<16xf32>
      %sub3A_1092 = arith.subf %mul3A_1089, %sub3A_1091 : vector<16xf32>
      %swap3A_1093 = arith.constant 208 : index
      %swap3A_1094 = tpu.vector_load %arg6[%swap3A_1093] {strides = array<i32>} : memref<1024xf32, #tpu.memory_space<vmem>>, vector<16xf32>,
      tpu.vector_store %arg6[%swap3A_1093], %sub3A_1092 {strides = array<i32>} : memref<1024xf32, #tpu.memory_space<vmem>>, vector<16xf32>,
      %get3A_1095 = arith.constant 0 : i32
      %get3A_1096 = arith.index_cast %get3A_1095 : i32 to index
      %get3A_1097 = arith.constant 224 : index
      %get3A_1098 = tpu.vector_load %arg5[%get3A_1096, %get3A_1097] {strides = array<i32>} : memref<1x1024xf32, #tpu.memory_space<vmem>>, vector<16xf32>,
      %mul3A_1099 = arith.constant 1.200000e+01 : f32
      %mul3A_1100 = vector.broadcast %mul3A_1099 : f32 to vector<16xf32>
      %mul3A_1101 = arith.mulf %get3A_1098, %mul3A_1100 : vector<16xf32>
      %sub3A_1102 = arith.constant 6.000000e+00 : f32
      %sub3A_1103 = vector.broadcast %sub3A_1102 : f32 to vector<16xf32>
      %sub3A_1104 = arith.subf %mul3A_1101, %sub3A_1103 : vector<16xf32>
      %swap3A_1105 = arith.constant 224 : index
      %swap3A_1106 = tpu.vector_load %arg6[%swap3A_1105] {strides = array<i32>} : memref<1024xf32, #tpu.memory_space<vmem>>, vector<16xf32>,
      tpu.vector_store %arg6[%swap3A_1105], %sub3A_1104 {strides = array<i32>} : memref<1024xf32, #tpu.memory_space<vmem>>, vector<16xf32>,
      %get3A_1107 = arith.constant 0 : i32
      %get3A_1108 = arith.index_cast %get3A_1107 : i32 to index
      %get3A_1109 = arith.constant 240 : index
      %get3A_1110 = tpu.vector_load %arg5[%get3A_1108, %get3A_1109] {strides = array<i32>} : memref<1x1024xf32, #tpu.memory_space<vmem>>, vector<16xf32>,
      %mul3A_1111 = arith.constant 1.200000e+01 : f32
      %mul3A_1112 = vector.broadcast %mul3A_1111 : f32 to vector<16xf32>
      %mul3A_1113 = arith.mulf %get3A_1110, %mul3A_1112 : vector<16xf32>
      %sub3A_1114 = arith.constant 6.000000e+00 : f32
      %sub3A_1115 = vector.broadcast %sub3A_1114 : f32 to vector<16xf32>
      %sub3A_1116 = arith.subf %mul3A_1113, %sub3A_1115 : vector<16xf32>
      %swap3A_1117 = arith.constant 240 : index
      %swap3A_1118 = tpu.vector_load %arg6[%swap3A_1117] {strides = array<i32>} : memref<1024xf32, #tpu.memory_space<vmem>>, vector<16xf32>,
      tpu.vector_store %arg6[%swap3A_1117], %sub3A_1116 {strides = array<i32>} : memref<1024xf32, #tpu.memory_space<vmem>>, vector<16xf32>,
      %get3A_1119 = arith.constant 0 : i32
      %get3A_1120 = arith.index_cast %get3A_1119 : i32 to index
      %get3A_1121 = arith.constant 256 : index
      %get3A_1122 = tpu.vector_load %arg5[%get3A_1120, %get3A_1121] {strides = array<i32>} : memref<1x1024xf32, #tpu.memory_space<vmem>>, vector<16xf32>,
      %mul3A_1123 = arith.constant 1.200000e+01 : f32
      %mul3A_1124 = vector.broadcast %mul3A_1123 : f32 to vector<16xf32>
      %mul3A_1125 = arith.mulf %get3A_1122, %mul3A_1124 : vector<16xf32>
      %sub3A_1126 = arith.constant 6.000000e+00 : f32
      %sub3A_1127 = vector.broadcast %sub3A_1126 : f32 to vector<16xf32>
      %sub3A_1128 = arith.subf %mul3A_1125, %sub3A_1127 : vector<16xf32>
      %swap3A_1129 = arith.constant 256 : index
      %swap3A_1130 = tpu.vector_load %arg6[%swap3A_1129] {strides = array<i32>} : memref<1024xf32, #tpu.memory_space<vmem>>, vector<16xf32>,
      tpu.vector_store %arg6[%swap3A_1129], %sub3A_1128 {strides = array<i32>} : memref<1024xf32, #tpu.memory_space<vmem>>, vector<16xf32>,
      %get3A_1131 = arith.constant 0 : i32
      %get3A_1132 = arith.index_cast %get3A_1131 : i32 to index
      %get3A_1133 = arith.constant 272 : index
      %get3A_1134 = tpu.vector_load %arg5[%get3A_1132, %get3A_1133] {strides = array<i32>} : memref<1x1024xf32, #tpu.memory_space<vmem>>, vector<16xf32>,
      %mul3A_1135 = arith.constant 1.200000e+01 : f32
      %mul3A_1136 = vector.broadcast %mul3A_1135 : f32 to vector<16xf32>
      %mul3A_1137 = arith.mulf %get3A_1134, %mul3A_1136 : vector<16xf32>
      %sub3A_1138 = arith.constant 6.000000e+00 : f32
      %sub3A_1139 = vector.broadcast %sub3A_1138 : f32 to vector<16xf32>
      %sub3A_1140 = arith.subf %mul3A_1137, %sub3A_1139 : vector<16xf32>
      %swap3A_1141 = arith.constant 272 : index
      %swap3A_1142 = tpu.vector_load %arg6[%swap3A_1141] {strides = array<i32>} : memref<1024xf32, #tpu.memory_space<vmem>>, vector<16xf32>,
      tpu.vector_store %arg6[%swap3A_1141], %sub3A_1140 {strides = array<i32>} : memref<1024xf32, #tpu.memory_space<vmem>>, vector<16xf32>,
      %get3A_1143 = arith.constant 0 : i32
      %get3A_1144 = arith.index_cast %get3A_1143 : i32 to index
      %get3A_1145 = arith.constant 288 : index
      %get3A_1146 = tpu.vector_load %arg5[%get3A_1144, %get3A_1145] {strides = array<i32>} : memref<1x1024xf32, #tpu.memory_space<vmem>>, vector<16xf32>,
      %mul3A_1147 = arith.constant 1.200000e+01 : f32
      %mul3A_1148 = vector.broadcast %mul3A_1147 : f32 to vector<16xf32>
      %mul3A_1149 = arith.mulf %get3A_1146, %mul3A_1148 : vector<16xf32>
      %sub3A_1150 = arith.constant 6.000000e+00 : f32
      %sub3A_1151 = vector.broadcast %sub3A_1150 : f32 to vector<16xf32>
      %sub3A_1152 = arith.subf %mul3A_1149, %sub3A_1151 : vector<16xf32>
      %swap3A_1153 = arith.constant 288 : index
      %swap3A_1154 = tpu.vector_load %arg6[%swap3A_1153] {strides = array<i32>} : memref<1024xf32, #tpu.memory_space<vmem>>, vector<16xf32>,
      tpu.vector_store %arg6[%swap3A_1153], %sub3A_1152 {strides = array<i32>} : memref<1024xf32, #tpu.memory_space<vmem>>, vector<16xf32>,
      %get3A_1155 = arith.constant 0 : i32
      %get3A_1156 = arith.index_cast %get3A_1155 : i32 to index
      %get3A_1157 = arith.constant 304 : index
      %get3A_1158 = tpu.vector_load %arg5[%get3A_1156, %get3A_1157] {strides = array<i32>} : memref<1x1024xf32, #tpu.memory_space<vmem>>, vector<16xf32>,
      %mul3A_1159 = arith.constant 1.200000e+01 : f32
      %mul3A_1160 = vector.broadcast %mul3A_1159 : f32 to vector<16xf32>
      %mul3A_1161 = arith.mulf %get3A_1158, %mul3A_1160 : vector<16xf32>
      %sub3A_1162 = arith.constant 6.000000e+00 : f32
      %sub3A_1163 = vector.broadcast %sub3A_1162 : f32 to vector<16xf32>
      %sub3A_1164 = arith.subf %mul3A_1161, %sub3A_1163 : vector<16xf32>
      %swap3A_1165 = arith.constant 304 : index
      %swap3A_1166 = tpu.vector_load %arg6[%swap3A_1165] {strides = array<i32>} : memref<1024xf32, #tpu.memory_space<vmem>>, vector<16xf32>,
      tpu.vector_store %arg6[%swap3A_1165], %sub3A_1164 {strides = array<i32>} : memref<1024xf32, #tpu.memory_space<vmem>>, vector<16xf32>,
      %get3A_1167 = arith.constant 0 : i32
      %get3A_1168 = arith.index_cast %get3A_1167 : i32 to index
      %get3A_1169 = arith.constant 320 : index
      %get3A_1170 = tpu.vector_load %arg5[%get3A_1168, %get3A_1169] {strides = array<i32>} : memref<1x1024xf32, #tpu.memory_space<vmem>>, vector<16xf32>,
      %mul3A_1171 = arith.constant 1.200000e+01 : f32
      %mul3A_1172 = vector.broadcast %mul3A_1171 : f32 to vector<16xf32>
      %mul3A_1173 = arith.mulf %get3A_1170, %mul3A_1172 : vector<16xf32>
      %sub3A_1174 = arith.constant 6.000000e+00 : f32
      %sub3A_1175 = vector.broadcast %sub3A_1174 : f32 to vector<16xf32>
      %sub3A_1176 = arith.subf %mul3A_1173, %sub3A_1175 : vector<16xf32>
      %swap3A_1177 = arith.constant 320 : index
      %swap3A_1178 = tpu.vector_load %arg6[%swap3A_1177] {strides = array<i32>} : memref<1024xf32, #tpu.memory_space<vmem>>, vector<16xf32>,
      tpu.vector_store %arg6[%swap3A_1177], %sub3A_1176 {strides = array<i32>} : memref<1024xf32, #tpu.memory_space<vmem>>, vector<16xf32>,
      %get3A_1179 = arith.constant 0 : i32
      %get3A_1180 = arith.index_cast %get3A_1179 : i32 to index
      %get3A_1181 = arith.constant 336 : index
      %get3A_1182 = tpu.vector_load %arg5[%get3A_1180, %get3A_1181] {strides = array<i32>} : memref<1x1024xf32, #tpu.memory_space<vmem>>, vector<16xf32>,
      %mul3A_1183 = arith.constant 1.200000e+01 : f32
      %mul3A_1184 = vector.broadcast %mul3A_1183 : f32 to vector<16xf32>
      %mul3A_1185 = arith.mulf %get3A_1182, %mul3A_1184 : vector<16xf32>
      %sub3A_1186 = arith.constant 6.000000e+00 : f32
      %sub3A_1187 = vector.broadcast %sub3A_1186 : f32 to vector<16xf32>
      %sub3A_1188 = arith.subf %mul3A_1185, %sub3A_1187 : vector<16xf32>
      %swap3A_1189 = arith.constant 336 : index
      %swap3A_1190 = tpu.vector_load %arg6[%swap3A_1189] {strides = array<i32>} : memref<1024xf32, #tpu.memory_space<vmem>>, vector<16xf32>,
      tpu.vector_store %arg6[%swap3A_1189], %sub3A_1188 {strides = array<i32>} : memref<1024xf32, #tpu.memory_space<vmem>>, vector<16xf32>,
      %get3A_1191 = arith.constant 0 : i32
      %get3A_1192 = arith.index_cast %get3A_1191 : i32 to index
      %get3A_1193 = arith.constant 352 : index
      %get3A_1194 = tpu.vector_load %arg5[%get3A_1192, %get3A_1193] {strides = array<i32>} : memref<1x1024xf32, #tpu.memory_space<vmem>>, vector<16xf32>,
      %mul3A_1195 = arith.constant 1.200000e+01 : f32
      %mul3A_1196 = vector.broadcast %mul3A_1195 : f32 to vector<16xf32>
      %mul3A_1197 = arith.mulf %get3A_1194, %mul3A_1196 : vector<16xf32>
      %sub3A_1198 = arith.constant 6.000000e+00 : f32
      %sub3A_1199 = vector.broadcast %sub3A_1198 : f32 to vector<16xf32>
      %sub3A_1200 = arith.subf %mul3A_1197, %sub3A_1199 : vector<16xf32>
      %swap3A_1201 = arith.constant 352 : index
      %swap3A_1202 = tpu.vector_load %arg6[%swap3A_1201] {strides = array<i32>} : memref<1024xf32, #tpu.memory_space<vmem>>, vector<16xf32>,
      tpu.vector_store %arg6[%swap3A_1201], %sub3A_1200 {strides = array<i32>} : memref<1024xf32, #tpu.memory_space<vmem>>, vector<16xf32>,
      %get3A_1203 = arith.constant 0 : i32
      %get3A_1204 = arith.index_cast %get3A_1203 : i32 to index
      %get3A_1205 = arith.constant 368 : index
      %get3A_1206 = tpu.vector_load %arg5[%get3A_1204, %get3A_1205] {strides = array<i32>} : memref<1x1024xf32, #tpu.memory_space<vmem>>, vector<16xf32>,
      %mul3A_1207 = arith.constant 1.200000e+01 : f32
      %mul3A_1208 = vector.broadcast %mul3A_1207 : f32 to vector<16xf32>
      %mul3A_1209 = arith.mulf %get3A_1206, %mul3A_1208 : vector<16xf32>
      %sub3A_1210 = arith.constant 6.000000e+00 : f32
      %sub3A_1211 = vector.broadcast %sub3A_1210 : f32 to vector<16xf32>
      %sub3A_1212 = arith.subf %mul3A_1209, %sub3A_1211 : vector<16xf32>
      %swap3A_1213 = arith.constant 368 : index
      %swap3A_1214 = tpu.vector_load %arg6[%swap3A_1213] {strides = array<i32>} : memref<1024xf32, #tpu.memory_space<vmem>>, vector<16xf32>,
      tpu.vector_store %arg6[%swap3A_1213], %sub3A_1212 {strides = array<i32>} : memref<1024xf32, #tpu.memory_space<vmem>>, vector<16xf32>,
      %get3A_1215 = arith.constant 0 : i32
      %get3A_1216 = arith.index_cast %get3A_1215 : i32 to index
      %get3A_1217 = arith.constant 384 : index
      %get3A_1218 = tpu.vector_load %arg5[%get3A_1216, %get3A_1217] {strides = array<i32>} : memref<1x1024xf32, #tpu.memory_space<vmem>>, vector<16xf32>,
      %mul3A_1219 = arith.constant 1.200000e+01 : f32
      %mul3A_1220 = vector.broadcast %mul3A_1219 : f32 to vector<16xf32>
      %mul3A_1221 = arith.mulf %get3A_1218, %mul3A_1220 : vector<16xf32>
      %sub3A_1222 = arith.constant 6.000000e+00 : f32
      %sub3A_1223 = vector.broadcast %sub3A_1222 : f32 to vector<16xf32>
      %sub3A_1224 = arith.subf %mul3A_1221, %sub3A_1223 : vector<16xf32>
      %swap3A_1225 = arith.constant 384 : index
      %swap3A_1226 = tpu.vector_load %arg6[%swap3A_1225] {strides = array<i32>} : memref<1024xf32, #tpu.memory_space<vmem>>, vector<16xf32>,
      tpu.vector_store %arg6[%swap3A_1225], %sub3A_1224 {strides = array<i32>} : memref<1024xf32, #tpu.memory_space<vmem>>, vector<16xf32>,
      %get3A_1227 = arith.constant 0 : i32
      %get3A_1228 = arith.index_cast %get3A_1227 : i32 to index
      %get3A_1229 = arith.constant 400 : index
      %get3A_1230 = tpu.vector_load %arg5[%get3A_1228, %get3A_1229] {strides = array<i32>} : memref<1x1024xf32, #tpu.memory_space<vmem>>, vector<16xf32>,
      %mul3A_1231 = arith.constant 1.200000e+01 : f32
      %mul3A_1232 = vector.broadcast %mul3A_1231 : f32 to vector<16xf32>
      %mul3A_1233 = arith.mulf %get3A_1230, %mul3A_1232 : vector<16xf32>
      %sub3A_1234 = arith.constant 6.000000e+00 : f32
      %sub3A_1235 = vector.broadcast %sub3A_1234 : f32 to vector<16xf32>
      %sub3A_1236 = arith.subf %mul3A_1233, %sub3A_1235 : vector<16xf32>
      %swap3A_1237 = arith.constant 400 : index
      %swap3A_1238 = tpu.vector_load %arg6[%swap3A_1237] {strides = array<i32>} : memref<1024xf32, #tpu.memory_space<vmem>>, vector<16xf32>,
      tpu.vector_store %arg6[%swap3A_1237], %sub3A_1236 {strides = array<i32>} : memref<1024xf32, #tpu.memory_space<vmem>>, vector<16xf32>,
      %get3A_1239 = arith.constant 0 : i32
      %get3A_1240 = arith.index_cast %get3A_1239 : i32 to index
      %get3A_1241 = arith.constant 416 : index
      %get3A_1242 = tpu.vector_load %arg5[%get3A_1240, %get3A_1241] {strides = array<i32>} : memref<1x1024xf32, #tpu.memory_space<vmem>>, vector<16xf32>,
      %mul3A_1243 = arith.constant 1.200000e+01 : f32
      %mul3A_1244 = vector.broadcast %mul3A_1243 : f32 to vector<16xf32>
      %mul3A_1245 = arith.mulf %get3A_1242, %mul3A_1244 : vector<16xf32>
      %sub3A_1246 = arith.constant 6.000000e+00 : f32
      %sub3A_1247 = vector.broadcast %sub3A_1246 : f32 to vector<16xf32>
      %sub3A_1248 = arith.subf %mul3A_1245, %sub3A_1247 : vector<16xf32>
      %swap3A_1249 = arith.constant 416 : index
      %swap3A_1250 = tpu.vector_load %arg6[%swap3A_1249] {strides = array<i32>} : memref<1024xf32, #tpu.memory_space<vmem>>, vector<16xf32>,
      tpu.vector_store %arg6[%swap3A_1249], %sub3A_1248 {strides = array<i32>} : memref<1024xf32, #tpu.memory_space<vmem>>, vector<16xf32>,
      %get3A_1251 = arith.constant 0 : i32
      %get3A_1252 = arith.index_cast %get3A_1251 : i32 to index
      %get3A_1253 = arith.constant 432 : index
      %get3A_1254 = tpu.vector_load %arg5[%get3A_1252, %get3A_1253] {strides = array<i32>} : memref<1x1024xf32, #tpu.memory_space<vmem>>, vector<16xf32>,
      %mul3A_1255 = arith.constant 1.200000e+01 : f32
      %mul3A_1256 = vector.broadcast %mul3A_1255 : f32 to vector<16xf32>
      %mul3A_1257 = arith.mulf %get3A_1254, %mul3A_1256 : vector<16xf32>
      %sub3A_1258 = arith.constant 6.000000e+00 : f32
      %sub3A_1259 = vector.broadcast %sub3A_1258 : f32 to vector<16xf32>
      %sub3A_1260 = arith.subf %mul3A_1257, %sub3A_1259 : vector<16xf32>
      %swap3A_1261 = arith.constant 432 : index
      %swap3A_1262 = tpu.vector_load %arg6[%swap3A_1261] {strides = array<i32>} : memref<1024xf32, #tpu.memory_space<vmem>>, vector<16xf32>,
      tpu.vector_store %arg6[%swap3A_1261], %sub3A_1260 {strides = array<i32>} : memref<1024xf32, #tpu.memory_space<vmem>>, vector<16xf32>,
      %get3A_1263 = arith.constant 0 : i32
      %get3A_1264 = arith.index_cast %get3A_1263 : i32 to index
      %get3A_1265 = arith.constant 448 : index
      %get3A_1266 = tpu.vector_load %arg5[%get3A_1264, %get3A_1265] {strides = array<i32>} : memref<1x1024xf32, #tpu.memory_space<vmem>>, vector<16xf32>,
      %mul3A_1267 = arith.constant 1.200000e+01 : f32
      %mul3A_1268 = vector.broadcast %mul3A_1267 : f32 to vector<16xf32>
      %mul3A_1269 = arith.mulf %get3A_1266, %mul3A_1268 : vector<16xf32>
      %sub3A_1270 = arith.constant 6.000000e+00 : f32
      %sub3A_1271 = vector.broadcast %sub3A_1270 : f32 to vector<16xf32>
      %sub3A_1272 = arith.subf %mul3A_1269, %sub3A_1271 : vector<16xf32>
      %swap3A_1273 = arith.constant 448 : index
      %swap3A_1274 = tpu.vector_load %arg6[%swap3A_1273] {strides = array<i32>} : memref<1024xf32, #tpu.memory_space<vmem>>, vector<16xf32>,
      tpu.vector_store %arg6[%swap3A_1273], %sub3A_1272 {strides = array<i32>} : memref<1024xf32, #tpu.memory_space<vmem>>, vector<16xf32>,
      %get3A_1275 = arith.constant 0 : i32
      %get3A_1276 = arith.index_cast %get3A_1275 : i32 to index
      %get3A_1277 = arith.constant 464 : index
      %get3A_1278 = tpu.vector_load %arg5[%get3A_1276, %get3A_1277] {strides = array<i32>} : memref<1x1024xf32, #tpu.memory_space<vmem>>, vector<16xf32>,
      %mul3A_1279 = arith.constant 1.200000e+01 : f32
      %mul3A_1280 = vector.broadcast %mul3A_1279 : f32 to vector<16xf32>
      %mul3A_1281 = arith.mulf %get3A_1278, %mul3A_1280 : vector<16xf32>
      %sub3A_1282 = arith.constant 6.000000e+00 : f32
      %sub3A_1283 = vector.broadcast %sub3A_1282 : f32 to vector<16xf32>
      %sub3A_1284 = arith.subf %mul3A_1281, %sub3A_1283 : vector<16xf32>
      %swap3A_1285 = arith.constant 464 : index
      %swap3A_1286 = tpu.vector_load %arg6[%swap3A_1285] {strides = array<i32>} : memref<1024xf32, #tpu.memory_space<vmem>>, vector<16xf32>,
      tpu.vector_store %arg6[%swap3A_1285], %sub3A_1284 {strides = array<i32>} : memref<1024xf32, #tpu.memory_space<vmem>>, vector<16xf32>,
      %get3A_1287 = arith.constant 0 : i32
      %get3A_1288 = arith.index_cast %get3A_1287 : i32 to index
      %get3A_1289 = arith.constant 480 : index
      %get3A_1290 = tpu.vector_load %arg5[%get3A_1288, %get3A_1289] {strides = array<i32>} : memref<1x1024xf32, #tpu.memory_space<vmem>>, vector<16xf32>,
      %mul3A_1291 = arith.constant 1.200000e+01 : f32
      %mul3A_1292 = vector.broadcast %mul3A_1291 : f32 to vector<16xf32>
      %mul3A_1293 = arith.mulf %get3A_1290, %mul3A_1292 : vector<16xf32>
      %sub3A_1294 = arith.constant 6.000000e+00 : f32
      %sub3A_1295 = vector.broadcast %sub3A_1294 : f32 to vector<16xf32>
      %sub3A_1296 = arith.subf %mul3A_1293, %sub3A_1295 : vector<16xf32>
      %swap3A_1297 = arith.constant 480 : index
      %swap3A_1298 = tpu.vector_load %arg6[%swap3A_1297] {strides = array<i32>} : memref<1024xf32, #tpu.memory_space<vmem>>, vector<16xf32>,
      tpu.vector_store %arg6[%swap3A_1297], %sub3A_1296 {strides = array<i32>} : memref<1024xf32, #tpu.memory_space<vmem>>, vector<16xf32>,
      %get3A_1299 = arith.constant 0 : i32
      %get3A_1300 = arith.index_cast %get3A_1299 : i32 to index
      %get3A_1301 = arith.constant 496 : index
      %get3A_1302 = tpu.vector_load %arg5[%get3A_1300, %get3A_1301] {strides = array<i32>} : memref<1x1024xf32, #tpu.memory_space<vmem>>, vector<16xf32>,
      %mul3A_1303 = arith.constant 1.200000e+01 : f32
      %mul3A_1304 = vector.broadcast %mul3A_1303 : f32 to vector<16xf32>
      %mul3A_1305 = arith.mulf %get3A_1302, %mul3A_1304 : vector<16xf32>
      %sub3A_1306 = arith.constant 6.000000e+00 : f32
      %sub3A_1307 = vector.broadcast %sub3A_1306 : f32 to vector<16xf32>
      %sub3A_1308 = arith.subf %mul3A_1305, %sub3A_1307 : vector<16xf32>
      %swap3A_1309 = arith.constant 496 : index
      %swap3A_1310 = tpu.vector_load %arg6[%swap3A_1309] {strides = array<i32>} : memref<1024xf32, #tpu.memory_space<vmem>>, vector<16xf32>,
      tpu.vector_store %arg6[%swap3A_1309], %sub3A_1308 {strides = array<i32>} : memref<1024xf32, #tpu.memory_space<vmem>>, vector<16xf32>,
      %get3A_1311 = arith.constant 0 : i32
      %get3A_1312 = arith.index_cast %get3A_1311 : i32 to index
      %get3A_1313 = arith.constant 512 : index
      %get3A_1314 = tpu.vector_load %arg5[%get3A_1312, %get3A_1313] {strides = array<i32>} : memref<1x1024xf32, #tpu.memory_space<vmem>>, vector<16xf32>,
      %mul3A_1315 = arith.constant 1.200000e+01 : f32
      %mul3A_1316 = vector.broadcast %mul3A_1315 : f32 to vector<16xf32>
      %mul3A_1317 = arith.mulf %get3A_1314, %mul3A_1316 : vector<16xf32>
      %sub3A_1318 = arith.constant 6.000000e+00 : f32
      %sub3A_1319 = vector.broadcast %sub3A_1318 : f32 to vector<16xf32>
      %sub3A_1320 = arith.subf %mul3A_1317, %sub3A_1319 : vector<16xf32>
      %swap3A_1321 = arith.constant 512 : index
      %swap3A_1322 = tpu.vector_load %arg6[%swap3A_1321] {strides = array<i32>} : memref<1024xf32, #tpu.memory_space<vmem>>, vector<16xf32>,
      tpu.vector_store %arg6[%swap3A_1321], %sub3A_1320 {strides = array<i32>} : memref<1024xf32, #tpu.memory_space<vmem>>, vector<16xf32>,
      %get3A_1323 = arith.constant 0 : i32
      %get3A_1324 = arith.index_cast %get3A_1323 : i32 to index
      %get3A_1325 = arith.constant 528 : index
      %get3A_1326 = tpu.vector_load %arg5[%get3A_1324, %get3A_1325] {strides = array<i32>} : memref<1x1024xf32, #tpu.memory_space<vmem>>, vector<16xf32>,
      %mul3A_1327 = arith.constant 1.200000e+01 : f32
      %mul3A_1328 = vector.broadcast %mul3A_1327 : f32 to vector<16xf32>
      %mul3A_1329 = arith.mulf %get3A_1326, %mul3A_1328 : vector<16xf32>
      %sub3A_1330 = arith.constant 6.000000e+00 : f32
      %sub3A_1331 = vector.broadcast %sub3A_1330 : f32 to vector<16xf32>
      %sub3A_1332 = arith.subf %mul3A_1329, %sub3A_1331 : vector<16xf32>
      %swap3A_1333 = arith.constant 528 : index
      %swap3A_1334 = tpu.vector_load %arg6[%swap3A_1333] {strides = array<i32>} : memref<1024xf32, #tpu.memory_space<vmem>>, vector<16xf32>,
      tpu.vector_store %arg6[%swap3A_1333], %sub3A_1332 {strides = array<i32>} : memref<1024xf32, #tpu.memory_space<vmem>>, vector<16xf32>,
      %get3A_1335 = arith.constant 0 : i32
      %get3A_1336 = arith.index_cast %get3A_1335 : i32 to index
      %get3A_1337 = arith.constant 544 : index
      %get3A_1338 = tpu.vector_load %arg5[%get3A_1336, %get3A_1337] {strides = array<i32>} : memref<1x1024xf32, #tpu.memory_space<vmem>>, vector<16xf32>,
      %mul3A_1339 = arith.constant 1.200000e+01 : f32
      %mul3A_1340 = vector.broadcast %mul3A_1339 : f32 to vector<16xf32>
      %mul3A_1341 = arith.mulf %get3A_1338, %mul3A_1340 : vector<16xf32>
      %sub3A_1342 = arith.constant 6.000000e+00 : f32
      %sub3A_1343 = vector.broadcast %sub3A_1342 : f32 to vector<16xf32>
      %sub3A_1344 = arith.subf %mul3A_1341, %sub3A_1343 : vector<16xf32>
      %swap3A_1345 = arith.constant 544 : index
      %swap3A_1346 = tpu.vector_load %arg6[%swap3A_1345] {strides = array<i32>} : memref<1024xf32, #tpu.memory_space<vmem>>, vector<16xf32>,
      tpu.vector_store %arg6[%swap3A_1345], %sub3A_1344 {strides = array<i32>} : memref<1024xf32, #tpu.memory_space<vmem>>, vector<16xf32>,
      %get3A_1347 = arith.constant 0 : i32
      %get3A_1348 = arith.index_cast %get3A_1347 : i32 to index
      %get3A_1349 = arith.constant 560 : index
      %get3A_1350 = tpu.vector_load %arg5[%get3A_1348, %get3A_1349] {strides = array<i32>} : memref<1x1024xf32, #tpu.memory_space<vmem>>, vector<16xf32>,
      %mul3A_1351 = arith.constant 1.200000e+01 : f32
      %mul3A_1352 = vector.broadcast %mul3A_1351 : f32 to vector<16xf32>
      %mul3A_1353 = arith.mulf %get3A_1350, %mul3A_1352 : vector<16xf32>
      %sub3A_1354 = arith.constant 6.000000e+00 : f32
      %sub3A_1355 = vector.broadcast %sub3A_1354 : f32 to vector<16xf32>
      %sub3A_1356 = arith.subf %mul3A_1353, %sub3A_1355 : vector<16xf32>
      %swap3A_1357 = arith.constant 560 : index
      %swap3A_1358 = tpu.vector_load %arg6[%swap3A_1357] {strides = array<i32>} : memref<1024xf32, #tpu.memory_space<vmem>>, vector<16xf32>,
      tpu.vector_store %arg6[%swap3A_1357], %sub3A_1356 {strides = array<i32>} : memref<1024xf32, #tpu.memory_space<vmem>>, vector<16xf32>,
      %get3A_1359 = arith.constant 0 : i32
      %get3A_1360 = arith.index_cast %get3A_1359 : i32 to index
      %get3A_1361 = arith.constant 576 : index
      %get3A_1362 = tpu.vector_load %arg5[%get3A_1360, %get3A_1361] {strides = array<i32>} : memref<1x1024xf32, #tpu.memory_space<vmem>>, vector<16xf32>,
      %mul3A_1363 = arith.constant 1.200000e+01 : f32
      %mul3A_1364 = vector.broadcast %mul3A_1363 : f32 to vector<16xf32>
      %mul3A_1365 = arith.mulf %get3A_1362, %mul3A_1364 : vector<16xf32>
      %sub3A_1366 = arith.constant 6.000000e+00 : f32
      %sub3A_1367 = vector.broadcast %sub3A_1366 : f32 to vector<16xf32>
      %sub3A_1368 = arith.subf %mul3A_1365, %sub3A_1367 : vector<16xf32>
      %swap3A_1369 = arith.constant 576 : index
      %swap3A_1370 = tpu.vector_load %arg6[%swap3A_1369] {strides = array<i32>} : memref<1024xf32, #tpu.memory_space<vmem>>, vector<16xf32>,
      tpu.vector_store %arg6[%swap3A_1369], %sub3A_1368 {strides = array<i32>} : memref<1024xf32, #tpu.memory_space<vmem>>, vector<16xf32>,
      %get3A_1371 = arith.constant 0 : i32
      %get3A_1372 = arith.index_cast %get3A_1371 : i32 to index
      %get3A_1373 = arith.constant 592 : index
      %get3A_1374 = tpu.vector_load %arg5[%get3A_1372, %get3A_1373] {strides = array<i32>} : memref<1x1024xf32, #tpu.memory_space<vmem>>, vector<16xf32>,
      %mul3A_1375 = arith.constant 1.200000e+01 : f32
      %mul3A_1376 = vector.broadcast %mul3A_1375 : f32 to vector<16xf32>
      %mul3A_1377 = arith.mulf %get3A_1374, %mul3A_1376 : vector<16xf32>
      %sub3A_1378 = arith.constant 6.000000e+00 : f32
      %sub3A_1379 = vector.broadcast %sub3A_1378 : f32 to vector<16xf32>
      %sub3A_1380 = arith.subf %mul3A_1377, %sub3A_1379 : vector<16xf32>
      %swap3A_1381 = arith.constant 592 : index
      %swap3A_1382 = tpu.vector_load %arg6[%swap3A_1381] {strides = array<i32>} : memref<1024xf32, #tpu.memory_space<vmem>>, vector<16xf32>,
      tpu.vector_store %arg6[%swap3A_1381], %sub3A_1380 {strides = array<i32>} : memref<1024xf32, #tpu.memory_space<vmem>>, vector<16xf32>,
      %get3A_1383 = arith.constant 0 : i32
      %get3A_1384 = arith.index_cast %get3A_1383 : i32 to index
      %get3A_1385 = arith.constant 608 : index
      %get3A_1386 = tpu.vector_load %arg5[%get3A_1384, %get3A_1385] {strides = array<i32>} : memref<1x1024xf32, #tpu.memory_space<vmem>>, vector<16xf32>,
      %mul3A_1387 = arith.constant 1.200000e+01 : f32
      %mul3A_1388 = vector.broadcast %mul3A_1387 : f32 to vector<16xf32>
      %mul3A_1389 = arith.mulf %get3A_1386, %mul3A_1388 : vector<16xf32>
      %sub3A_1390 = arith.constant 6.000000e+00 : f32
      %sub3A_1391 = vector.broadcast %sub3A_1390 : f32 to vector<16xf32>
      %sub3A_1392 = arith.subf %mul3A_1389, %sub3A_1391 : vector<16xf32>
      %swap3A_1393 = arith.constant 608 : index
      %swap3A_1394 = tpu.vector_load %arg6[%swap3A_1393] {strides = array<i32>} : memref<1024xf32, #tpu.memory_space<vmem>>, vector<16xf32>,
      tpu.vector_store %arg6[%swap3A_1393], %sub3A_1392 {strides = array<i32>} : memref<1024xf32, #tpu.memory_space<vmem>>, vector<16xf32>,
      %get3A_1395 = arith.constant 0 : i32
      %get3A_1396 = arith.index_cast %get3A_1395 : i32 to index
      %get3A_1397 = arith.constant 624 : index
      %get3A_1398 = tpu.vector_load %arg5[%get3A_1396, %get3A_1397] {strides = array<i32>} : memref<1x1024xf32, #tpu.memory_space<vmem>>, vector<16xf32>,
      %mul3A_1399 = arith.constant 1.200000e+01 : f32
      %mul3A_1400 = vector.broadcast %mul3A_1399 : f32 to vector<16xf32>
      %mul3A_1401 = arith.mulf %get3A_1398, %mul3A_1400 : vector<16xf32>
      %sub3A_1402 = arith.constant 6.000000e+00 : f32
      %sub3A_1403 = vector.broadcast %sub3A_1402 : f32 to vector<16xf32>
      %sub3A_1404 = arith.subf %mul3A_1401, %sub3A_1403 : vector<16xf32>
      %swap3A_1405 = arith.constant 624 : index
      %swap3A_1406 = tpu.vector_load %arg6[%swap3A_1405] {strides = array<i32>} : memref<1024xf32, #tpu.memory_space<vmem>>, vector<16xf32>,
      tpu.vector_store %arg6[%swap3A_1405], %sub3A_1404 {strides = array<i32>} : memref<1024xf32, #tpu.memory_space<vmem>>, vector<16xf32>,
      %get3A_1407 = arith.constant 0 : i32
      %get3A_1408 = arith.index_cast %get3A_1407 : i32 to index
      %get3A_1409 = arith.constant 640 : index
      %get3A_1410 = tpu.vector_load %arg5[%get3A_1408, %get3A_1409] {strides = array<i32>} : memref<1x1024xf32, #tpu.memory_space<vmem>>, vector<16xf32>,
      %mul3A_1411 = arith.constant 1.200000e+01 : f32
      %mul3A_1412 = vector.broadcast %mul3A_1411 : f32 to vector<16xf32>
      %mul3A_1413 = arith.mulf %get3A_1410, %mul3A_1412 : vector<16xf32>
      %sub3A_1414 = arith.constant 6.000000e+00 : f32
      %sub3A_1415 = vector.broadcast %sub3A_1414 : f32 to vector<16xf32>
      %sub3A_1416 = arith.subf %mul3A_1413, %sub3A_1415 : vector<16xf32>
      %swap3A_1417 = arith.constant 640 : index
      %swap3A_1418 = tpu.vector_load %arg6[%swap3A_1417] {strides = array<i32>} : memref<1024xf32, #tpu.memory_space<vmem>>, vector<16xf32>,
      tpu.vector_store %arg6[%swap3A_1417], %sub3A_1416 {strides = array<i32>} : memref<1024xf32, #tpu.memory_space<vmem>>, vector<16xf32>,
      %get3A_1419 = arith.constant 0 : i32
      %get3A_1420 = arith.index_cast %get3A_1419 : i32 to index
      %get3A_1421 = arith.constant 656 : index
      %get3A_1422 = tpu.vector_load %arg5[%get3A_1420, %get3A_1421] {strides = array<i32>} : memref<1x1024xf32, #tpu.memory_space<vmem>>, vector<16xf32>,
      %mul3A_1423 = arith.constant 1.200000e+01 : f32
      %mul3A_1424 = vector.broadcast %mul3A_1423 : f32 to vector<16xf32>
      %mul3A_1425 = arith.mulf %get3A_1422, %mul3A_1424 : vector<16xf32>
      %sub3A_1426 = arith.constant 6.000000e+00 : f32
      %sub3A_1427 = vector.broadcast %sub3A_1426 : f32 to vector<16xf32>
      %sub3A_1428 = arith.subf %mul3A_1425, %sub3A_1427 : vector<16xf32>
      %swap3A_1429 = arith.constant 656 : index
      %swap3A_1430 = tpu.vector_load %arg6[%swap3A_1429] {strides = array<i32>} : memref<1024xf32, #tpu.memory_space<vmem>>, vector<16xf32>,
      tpu.vector_store %arg6[%swap3A_1429], %sub3A_1428 {strides = array<i32>} : memref<1024xf32, #tpu.memory_space<vmem>>, vector<16xf32>,
      %get3A_1431 = arith.constant 0 : i32
      %get3A_1432 = arith.index_cast %get3A_1431 : i32 to index
      %get3A_1433 = arith.constant 672 : index
      %get3A_1434 = tpu.vector_load %arg5[%get3A_1432, %get3A_1433] {strides = array<i32>} : memref<1x1024xf32, #tpu.memory_space<vmem>>, vector<16xf32>,
      %mul3A_1435 = arith.constant 1.200000e+01 : f32
      %mul3A_1436 = vector.broadcast %mul3A_1435 : f32 to vector<16xf32>
      %mul3A_1437 = arith.mulf %get3A_1434, %mul3A_1436 : vector<16xf32>
      %sub3A_1438 = arith.constant 6.000000e+00 : f32
      %sub3A_1439 = vector.broadcast %sub3A_1438 : f32 to vector<16xf32>
      %sub3A_1440 = arith.subf %mul3A_1437, %sub3A_1439 : vector<16xf32>
      %swap3A_1441 = arith.constant 672 : index
      %swap3A_1442 = tpu.vector_load %arg6[%swap3A_1441] {strides = array<i32>} : memref<1024xf32, #tpu.memory_space<vmem>>, vector<16xf32>,
      tpu.vector_store %arg6[%swap3A_1441], %sub3A_1440 {strides = array<i32>} : memref<1024xf32, #tpu.memory_space<vmem>>, vector<16xf32>,
      %get3A_1443 = arith.constant 0 : i32
      %get3A_1444 = arith.index_cast %get3A_1443 : i32 to index
      %get3A_1445 = arith.constant 688 : index
      %get3A_1446 = tpu.vector_load %arg5[%get3A_1444, %get3A_1445] {strides = array<i32>} : memref<1x1024xf32, #tpu.memory_space<vmem>>, vector<16xf32>,
      %mul3A_1447 = arith.constant 1.200000e+01 : f32
      %mul3A_1448 = vector.broadcast %mul3A_1447 : f32 to vector<16xf32>
      %mul3A_1449 = arith.mulf %get3A_1446, %mul3A_1448 : vector<16xf32>
      %sub3A_1450 = arith.constant 6.000000e+00 : f32
      %sub3A_1451 = vector.broadcast %sub3A_1450 : f32 to vector<16xf32>
      %sub3A_1452 = arith.subf %mul3A_1449, %sub3A_1451 : vector<16xf32>
      %swap3A_1453 = arith.constant 688 : index
      %swap3A_1454 = tpu.vector_load %arg6[%swap3A_1453] {strides = array<i32>} : memref<1024xf32, #tpu.memory_space<vmem>>, vector<16xf32>,
      tpu.vector_store %arg6[%swap3A_1453], %sub3A_1452 {strides = array<i32>} : memref<1024xf32, #tpu.memory_space<vmem>>, vector<16xf32>,
      %get3A_1455 = arith.constant 0 : i32
      %get3A_1456 = arith.index_cast %get3A_1455 : i32 to index
      %get3A_1457 = arith.constant 704 : index
      %get3A_1458 = tpu.vector_load %arg5[%get3A_1456, %get3A_1457] {strides = array<i32>} : memref<1x1024xf32, #tpu.memory_space<vmem>>, vector<16xf32>,
      %mul3A_1459 = arith.constant 1.200000e+01 : f32
      %mul3A_1460 = vector.broadcast %mul3A_1459 : f32 to vector<16xf32>
      %mul3A_1461 = arith.mulf %get3A_1458, %mul3A_1460 : vector<16xf32>
      %sub3A_1462 = arith.constant 6.000000e+00 : f32
      %sub3A_1463 = vector.broadcast %sub3A_1462 : f32 to vector<16xf32>
      %sub3A_1464 = arith.subf %mul3A_1461, %sub3A_1463 : vector<16xf32>
      %swap3A_1465 = arith.constant 704 : index
      %swap3A_1466 = tpu.vector_load %arg6[%swap3A_1465] {strides = array<i32>} : memref<1024xf32, #tpu.memory_space<vmem>>, vector<16xf32>,
      tpu.vector_store %arg6[%swap3A_1465], %sub3A_1464 {strides = array<i32>} : memref<1024xf32, #tpu.memory_space<vmem>>, vector<16xf32>,
      %get3A_1467 = arith.constant 0 : i32
      %get3A_1468 = arith.index_cast %get3A_1467 : i32 to index
      %get3A_1469 = arith.constant 720 : index
      %get3A_1470 = tpu.vector_load %arg5[%get3A_1468, %get3A_1469] {strides = array<i32>} : memref<1x1024xf32, #tpu.memory_space<vmem>>, vector<16xf32>,
      %mul3A_1471 = arith.constant 1.200000e+01 : f32
      %mul3A_1472 = vector.broadcast %mul3A_1471 : f32 to vector<16xf32>
      %mul3A_1473 = arith.mulf %get3A_1470, %mul3A_1472 : vector<16xf32>
      %sub3A_1474 = arith.constant 6.000000e+00 : f32
      %sub3A_1475 = vector.broadcast %sub3A_1474 : f32 to vector<16xf32>
      %sub3A_1476 = arith.subf %mul3A_1473, %sub3A_1475 : vector<16xf32>
      %swap3A_1477 = arith.constant 720 : index
      %swap3A_1478 = tpu.vector_load %arg6[%swap3A_1477] {strides = array<i32>} : memref<1024xf32, #tpu.memory_space<vmem>>, vector<16xf32>,
      tpu.vector_store %arg6[%swap3A_1477], %sub3A_1476 {strides = array<i32>} : memref<1024xf32, #tpu.memory_space<vmem>>, vector<16xf32>,
      %get3A_1479 = arith.constant 0 : i32
      %get3A_1480 = arith.index_cast %get3A_1479 : i32 to index
      %get3A_1481 = arith.constant 736 : index
      %get3A_1482 = tpu.vector_load %arg5[%get3A_1480, %get3A_1481] {strides = array<i32>} : memref<1x1024xf32, #tpu.memory_space<vmem>>, vector<16xf32>,
      %mul3A_1483 = arith.constant 1.200000e+01 : f32
      %mul3A_1484 = vector.broadcast %mul3A_1483 : f32 to vector<16xf32>
      %mul3A_1485 = arith.mulf %get3A_1482, %mul3A_1484 : vector<16xf32>
      %sub3A_1486 = arith.constant 6.000000e+00 : f32
      %sub3A_1487 = vector.broadcast %sub3A_1486 : f32 to vector<16xf32>
      %sub3A_1488 = arith.subf %mul3A_1485, %sub3A_1487 : vector<16xf32>
      %swap3A_1489 = arith.constant 736 : index
      %swap3A_1490 = tpu.vector_load %arg6[%swap3A_1489] {strides = array<i32>} : memref<1024xf32, #tpu.memory_space<vmem>>, vector<16xf32>,
      tpu.vector_store %arg6[%swap3A_1489], %sub3A_1488 {strides = array<i32>} : memref<1024xf32, #tpu.memory_space<vmem>>, vector<16xf32>,
      %get3A_1491 = arith.constant 0 : i32
      %get3A_1492 = arith.index_cast %get3A_1491 : i32 to index
      %get3A_1493 = arith.constant 752 : index
      %get3A_1494 = tpu.vector_load %arg5[%get3A_1492, %get3A_1493] {strides = array<i32>} : memref<1x1024xf32, #tpu.memory_space<vmem>>, vector<16xf32>,
      %mul3A_1495 = arith.constant 1.200000e+01 : f32
      %mul3A_1496 = vector.broadcast %mul3A_1495 : f32 to vector<16xf32>
      %mul3A_1497 = arith.mulf %get3A_1494, %mul3A_1496 : vector<16xf32>
      %sub3A_1498 = arith.constant 6.000000e+00 : f32
      %sub3A_1499 = vector.broadcast %sub3A_1498 : f32 to vector<16xf32>
      %sub3A_1500 = arith.subf %mul3A_1497, %sub3A_1499 : vector<16xf32>
      %swap3A_1501 = arith.constant 752 : index
      %swap3A_1502 = tpu.vector_load %arg6[%swap3A_1501] {strides = array<i32>} : memref<1024xf32, #tpu.memory_space<vmem>>, vector<16xf32>,
      tpu.vector_store %arg6[%swap3A_1501], %sub3A_1500 {strides = array<i32>} : memref<1024xf32, #tpu.memory_space<vmem>>, vector<16xf32>,
      %get3A_1503 = arith.constant 0 : i32
      %get3A_1504 = arith.index_cast %get3A_1503 : i32 to index
      %get3A_1505 = arith.constant 768 : index
      %get3A_1506 = tpu.vector_load %arg5[%get3A_1504, %get3A_1505] {strides = array<i32>} : memref<1x1024xf32, #tpu.memory_space<vmem>>, vector<16xf32>,
      %mul3A_1507 = arith.constant 1.200000e+01 : f32
      %mul3A_1508 = vector.broadcast %mul3A_1507 : f32 to vector<16xf32>
      %mul3A_1509 = arith.mulf %get3A_1506, %mul3A_1508 : vector<16xf32>
      %sub3A_1510 = arith.constant 6.000000e+00 : f32
      %sub3A_1511 = vector.broadcast %sub3A_1510 : f32 to vector<16xf32>
      %sub3A_1512 = arith.subf %mul3A_1509, %sub3A_1511 : vector<16xf32>
      %swap3A_1513 = arith.constant 768 : index
      %swap3A_1514 = tpu.vector_load %arg6[%swap3A_1513] {strides = array<i32>} : memref<1024xf32, #tpu.memory_space<vmem>>, vector<16xf32>,
      tpu.vector_store %arg6[%swap3A_1513], %sub3A_1512 {strides = array<i32>} : memref<1024xf32, #tpu.memory_space<vmem>>, vector<16xf32>,
      %get3A_1515 = arith.constant 0 : i32
      %get3A_1516 = arith.index_cast %get3A_1515 : i32 to index
      %get3A_1517 = arith.constant 784 : index
      %get3A_1518 = tpu.vector_load %arg5[%get3A_1516, %get3A_1517] {strides = array<i32>} : memref<1x1024xf32, #tpu.memory_space<vmem>>, vector<16xf32>,
      %mul3A_1519 = arith.constant 1.200000e+01 : f32
      %mul3A_1520 = vector.broadcast %mul3A_1519 : f32 to vector<16xf32>
      %mul3A_1521 = arith.mulf %get3A_1518, %mul3A_1520 : vector<16xf32>
      %sub3A_1522 = arith.constant 6.000000e+00 : f32
      %sub3A_1523 = vector.broadcast %sub3A_1522 : f32 to vector<16xf32>
      %sub3A_1524 = arith.subf %mul3A_1521, %sub3A_1523 : vector<16xf32>
      %swap3A_1525 = arith.constant 784 : index
      %swap3A_1526 = tpu.vector_load %arg6[%swap3A_1525] {strides = array<i32>} : memref<1024xf32, #tpu.memory_space<vmem>>, vector<16xf32>,
      tpu.vector_store %arg6[%swap3A_1525], %sub3A_1524 {strides = array<i32>} : memref<1024xf32, #tpu.memory_space<vmem>>, vector<16xf32>,
      %get3A_1527 = arith.constant 0 : i32
      %get3A_1528 = arith.index_cast %get3A_1527 : i32 to index
      %get3A_1529 = arith.constant 800 : index
      %get3A_1530 = tpu.vector_load %arg5[%get3A_1528, %get3A_1529] {strides = array<i32>} : memref<1x1024xf32, #tpu.memory_space<vmem>>, vector<16xf32>,
      %mul3A_1531 = arith.constant 1.200000e+01 : f32
      %mul3A_1532 = vector.broadcast %mul3A_1531 : f32 to vector<16xf32>
      %mul3A_1533 = arith.mulf %get3A_1530, %mul3A_1532 : vector<16xf32>
      %sub3A_1534 = arith.constant 6.000000e+00 : f32
      %sub3A_1535 = vector.broadcast %sub3A_1534 : f32 to vector<16xf32>
      %sub3A_1536 = arith.subf %mul3A_1533, %sub3A_1535 : vector<16xf32>
      %swap3A_1537 = arith.constant 800 : index
      %swap3A_1538 = tpu.vector_load %arg6[%swap3A_1537] {strides = array<i32>} : memref<1024xf32, #tpu.memory_space<vmem>>, vector<16xf32>,
      tpu.vector_store %arg6[%swap3A_1537], %sub3A_1536 {strides = array<i32>} : memref<1024xf32, #tpu.memory_space<vmem>>, vector<16xf32>,
      %get3A_1539 = arith.constant 0 : i32
      %get3A_1540 = arith.index_cast %get3A_1539 : i32 to index
      %get3A_1541 = arith.constant 816 : index
      %get3A_1542 = tpu.vector_load %arg5[%get3A_1540, %get3A_1541] {strides = array<i32>} : memref<1x1024xf32, #tpu.memory_space<vmem>>, vector<16xf32>,
      %mul3A_1543 = arith.constant 1.200000e+01 : f32
      %mul3A_1544 = vector.broadcast %mul3A_1543 : f32 to vector<16xf32>
      %mul3A_1545 = arith.mulf %get3A_1542, %mul3A_1544 : vector<16xf32>
      %sub3A_1546 = arith.constant 6.000000e+00 : f32
      %sub3A_1547 = vector.broadcast %sub3A_1546 : f32 to vector<16xf32>
      %sub3A_1548 = arith.subf %mul3A_1545, %sub3A_1547 : vector<16xf32>
      %swap3A_1549 = arith.constant 816 : index
      %swap3A_1550 = tpu.vector_load %arg6[%swap3A_1549] {strides = array<i32>} : memref<1024xf32, #tpu.memory_space<vmem>>, vector<16xf32>,
      tpu.vector_store %arg6[%swap3A_1549], %sub3A_1548 {strides = array<i32>} : memref<1024xf32, #tpu.memory_space<vmem>>, vector<16xf32>,
      %get3A_1551 = arith.constant 0 : i32
      %get3A_1552 = arith.index_cast %get3A_1551 : i32 to index
      %get3A_1553 = arith.constant 832 : index
      %get3A_1554 = tpu.vector_load %arg5[%get3A_1552, %get3A_1553] {strides = array<i32>} : memref<1x1024xf32, #tpu.memory_space<vmem>>, vector<16xf32>,
      %mul3A_1555 = arith.constant 1.200000e+01 : f32
      %mul3A_1556 = vector.broadcast %mul3A_1555 : f32 to vector<16xf32>
      %mul3A_1557 = arith.mulf %get3A_1554, %mul3A_1556 : vector<16xf32>
      %sub3A_1558 = arith.constant 6.000000e+00 : f32
      %sub3A_1559 = vector.broadcast %sub3A_1558 : f32 to vector<16xf32>
      %sub3A_1560 = arith.subf %mul3A_1557, %sub3A_1559 : vector<16xf32>
      %swap3A_1561 = arith.constant 832 : index
      %swap3A_1562 = tpu.vector_load %arg6[%swap3A_1561] {strides = array<i32>} : memref<1024xf32, #tpu.memory_space<vmem>>, vector<16xf32>,
      tpu.vector_store %arg6[%swap3A_1561], %sub3A_1560 {strides = array<i32>} : memref<1024xf32, #tpu.memory_space<vmem>>, vector<16xf32>,
      %get3A_1563 = arith.constant 0 : i32
      %get3A_1564 = arith.index_cast %get3A_1563 : i32 to index
      %get3A_1565 = arith.constant 848 : index
      %get3A_1566 = tpu.vector_load %arg5[%get3A_1564, %get3A_1565] {strides = array<i32>} : memref<1x1024xf32, #tpu.memory_space<vmem>>, vector<16xf32>,
      %mul3A_1567 = arith.constant 1.200000e+01 : f32
      %mul3A_1568 = vector.broadcast %mul3A_1567 : f32 to vector<16xf32>
      %mul3A_1569 = arith.mulf %get3A_1566, %mul3A_1568 : vector<16xf32>
      %sub3A_1570 = arith.constant 6.000000e+00 : f32
      %sub3A_1571 = vector.broadcast %sub3A_1570 : f32 to vector<16xf32>
      %sub3A_1572 = arith.subf %mul3A_1569, %sub3A_1571 : vector<16xf32>
      %swap3A_1573 = arith.constant 848 : index
      %swap3A_1574 = tpu.vector_load %arg6[%swap3A_1573] {strides = array<i32>} : memref<1024xf32, #tpu.memory_space<vmem>>, vector<16xf32>,
      tpu.vector_store %arg6[%swap3A_1573], %sub3A_1572 {strides = array<i32>} : memref<1024xf32, #tpu.memory_space<vmem>>, vector<16xf32>,
      %get3A_1575 = arith.constant 0 : i32
      %get3A_1576 = arith.index_cast %get3A_1575 : i32 to index
      %get3A_1577 = arith.constant 864 : index
      %get3A_1578 = tpu.vector_load %arg5[%get3A_1576, %get3A_1577] {strides = array<i32>} : memref<1x1024xf32, #tpu.memory_space<vmem>>, vector<16xf32>,
      %mul3A_1579 = arith.constant 1.200000e+01 : f32
      %mul3A_1580 = vector.broadcast %mul3A_1579 : f32 to vector<16xf32>
      %mul3A_1581 = arith.mulf %get3A_1578, %mul3A_1580 : vector<16xf32>
      %sub3A_1582 = arith.constant 6.000000e+00 : f32
      %sub3A_1583 = vector.broadcast %sub3A_1582 : f32 to vector<16xf32>
      %sub3A_1584 = arith.subf %mul3A_1581, %sub3A_1583 : vector<16xf32>
      %swap3A_1585 = arith.constant 864 : index
      %swap3A_1586 = tpu.vector_load %arg6[%swap3A_1585] {strides = array<i32>} : memref<1024xf32, #tpu.memory_space<vmem>>, vector<16xf32>,
      tpu.vector_store %arg6[%swap3A_1585], %sub3A_1584 {strides = array<i32>} : memref<1024xf32, #tpu.memory_space<vmem>>, vector<16xf32>,
      %get3A_1587 = arith.constant 0 : i32
      %get3A_1588 = arith.index_cast %get3A_1587 : i32 to index
      %get3A_1589 = arith.constant 880 : index
      %get3A_1590 = tpu.vector_load %arg5[%get3A_1588, %get3A_1589] {strides = array<i32>} : memref<1x1024xf32, #tpu.memory_space<vmem>>, vector<16xf32>,
      %mul3A_1591 = arith.constant 1.200000e+01 : f32
      %mul3A_1592 = vector.broadcast %mul3A_1591 : f32 to vector<16xf32>
      %mul3A_1593 = arith.mulf %get3A_1590, %mul3A_1592 : vector<16xf32>
      %sub3A_1594 = arith.constant 6.000000e+00 : f32
      %sub3A_1595 = vector.broadcast %sub3A_1594 : f32 to vector<16xf32>
      %sub3A_1596 = arith.subf %mul3A_1593, %sub3A_1595 : vector<16xf32>
      %swap3A_1597 = arith.constant 880 : index
      %swap3A_1598 = tpu.vector_load %arg6[%swap3A_1597] {strides = array<i32>} : memref<1024xf32, #tpu.memory_space<vmem>>, vector<16xf32>,
      tpu.vector_store %arg6[%swap3A_1597], %sub3A_1596 {strides = array<i32>} : memref<1024xf32, #tpu.memory_space<vmem>>, vector<16xf32>,
      %get3A_1599 = arith.constant 0 : i32
      %get3A_1600 = arith.index_cast %get3A_1599 : i32 to index
      %get3A_1601 = arith.constant 896 : index
      %get3A_1602 = tpu.vector_load %arg5[%get3A_1600, %get3A_1601] {strides = array<i32>} : memref<1x1024xf32, #tpu.memory_space<vmem>>, vector<16xf32>,
      %mul3A_1603 = arith.constant 1.200000e+01 : f32
      %mul3A_1604 = vector.broadcast %mul3A_1603 : f32 to vector<16xf32>
      %mul3A_1605 = arith.mulf %get3A_1602, %mul3A_1604 : vector<16xf32>
      %sub3A_1606 = arith.constant 6.000000e+00 : f32
      %sub3A_1607 = vector.broadcast %sub3A_1606 : f32 to vector<16xf32>
      %sub3A_1608 = arith.subf %mul3A_1605, %sub3A_1607 : vector<16xf32>
      %swap3A_1609 = arith.constant 896 : index
      %swap3A_1610 = tpu.vector_load %arg6[%swap3A_1609] {strides = array<i32>} : memref<1024xf32, #tpu.memory_space<vmem>>, vector<16xf32>,
      tpu.vector_store %arg6[%swap3A_1609], %sub3A_1608 {strides = array<i32>} : memref<1024xf32, #tpu.memory_space<vmem>>, vector<16xf32>,
      %get3A_1611 = arith.constant 0 : i32
      %get3A_1612 = arith.index_cast %get3A_1611 : i32 to index
      %get3A_1613 = arith.constant 912 : index
      %get3A_1614 = tpu.vector_load %arg5[%get3A_1612, %get3A_1613] {strides = array<i32>} : memref<1x1024xf32, #tpu.memory_space<vmem>>, vector<16xf32>,
      %mul3A_1615 = arith.constant 1.200000e+01 : f32
      %mul3A_1616 = vector.broadcast %mul3A_1615 : f32 to vector<16xf32>
      %mul3A_1617 = arith.mulf %get3A_1614, %mul3A_1616 : vector<16xf32>
      %sub3A_1618 = arith.constant 6.000000e+00 : f32
      %sub3A_1619 = vector.broadcast %sub3A_1618 : f32 to vector<16xf32>
      %sub3A_1620 = arith.subf %mul3A_1617, %sub3A_1619 : vector<16xf32>
      %swap3A_1621 = arith.constant 912 : index
      %swap3A_1622 = tpu.vector_load %arg6[%swap3A_1621] {strides = array<i32>} : memref<1024xf32, #tpu.memory_space<vmem>>, vector<16xf32>,
      tpu.vector_store %arg6[%swap3A_1621], %sub3A_1620 {strides = array<i32>} : memref<1024xf32, #tpu.memory_space<vmem>>, vector<16xf32>,
      %get3A_1623 = arith.constant 0 : i32
      %get3A_1624 = arith.index_cast %get3A_1623 : i32 to index
      %get3A_1625 = arith.constant 928 : index
      %get3A_1626 = tpu.vector_load %arg5[%get3A_1624, %get3A_1625] {strides = array<i32>} : memref<1x1024xf32, #tpu.memory_space<vmem>>, vector<16xf32>,
      %mul3A_1627 = arith.constant 1.200000e+01 : f32
      %mul3A_1628 = vector.broadcast %mul3A_1627 : f32 to vector<16xf32>
      %mul3A_1629 = arith.mulf %get3A_1626, %mul3A_1628 : vector<16xf32>
      %sub3A_1630 = arith.constant 6.000000e+00 : f32
      %sub3A_1631 = vector.broadcast %sub3A_1630 : f32 to vector<16xf32>
      %sub3A_1632 = arith.subf %mul3A_1629, %sub3A_1631 : vector<16xf32>
      %swap3A_1633 = arith.constant 928 : index
      %swap3A_1634 = tpu.vector_load %arg6[%swap3A_1633] {strides = array<i32>} : memref<1024xf32, #tpu.memory_space<vmem>>, vector<16xf32>,
      tpu.vector_store %arg6[%swap3A_1633], %sub3A_1632 {strides = array<i32>} : memref<1024xf32, #tpu.memory_space<vmem>>, vector<16xf32>,
      %get3A_1635 = arith.constant 0 : i32
      %get3A_1636 = arith.index_cast %get3A_1635 : i32 to index
      %get3A_1637 = arith.constant 944 : index
      %get3A_1638 = tpu.vector_load %arg5[%get3A_1636, %get3A_1637] {strides = array<i32>} : memref<1x1024xf32, #tpu.memory_space<vmem>>, vector<16xf32>,
      %mul3A_1639 = arith.constant 1.200000e+01 : f32
      %mul3A_1640 = vector.broadcast %mul3A_1639 : f32 to vector<16xf32>
      %mul3A_1641 = arith.mulf %get3A_1638, %mul3A_1640 : vector<16xf32>
      %sub3A_1642 = arith.constant 6.000000e+00 : f32
      %sub3A_1643 = vector.broadcast %sub3A_1642 : f32 to vector<16xf32>
      %sub3A_1644 = arith.subf %mul3A_1641, %sub3A_1643 : vector<16xf32>
      %swap3A_1645 = arith.constant 944 : index
      %swap3A_1646 = tpu.vector_load %arg6[%swap3A_1645] {strides = array<i32>} : memref<1024xf32, #tpu.memory_space<vmem>>, vector<16xf32>,
      tpu.vector_store %arg6[%swap3A_1645], %sub3A_1644 {strides = array<i32>} : memref<1024xf32, #tpu.memory_space<vmem>>, vector<16xf32>,
      %get3A_1647 = arith.constant 0 : i32
      %get3A_1648 = arith.index_cast %get3A_1647 : i32 to index
      %get3A_1649 = arith.constant 960 : index
      %get3A_1650 = tpu.vector_load %arg5[%get3A_1648, %get3A_1649] {strides = array<i32>} : memref<1x1024xf32, #tpu.memory_space<vmem>>, vector<16xf32>,
      %mul3A_1651 = arith.constant 1.200000e+01 : f32
      %mul3A_1652 = vector.broadcast %mul3A_1651 : f32 to vector<16xf32>
      %mul3A_1653 = arith.mulf %get3A_1650, %mul3A_1652 : vector<16xf32>
      %sub3A_1654 = arith.constant 6.000000e+00 : f32
      %sub3A_1655 = vector.broadcast %sub3A_1654 : f32 to vector<16xf32>
      %sub3A_1656 = arith.subf %mul3A_1653, %sub3A_1655 : vector<16xf32>
      %swap3A_1657 = arith.constant 960 : index
      %swap3A_1658 = tpu.vector_load %arg6[%swap3A_1657] {strides = array<i32>} : memref<1024xf32, #tpu.memory_space<vmem>>, vector<16xf32>,
      tpu.vector_store %arg6[%swap3A_1657], %sub3A_1656 {strides = array<i32>} : memref<1024xf32, #tpu.memory_space<vmem>>, vector<16xf32>,
      %get3A_1659 = arith.constant 0 : i32
      %get3A_1660 = arith.index_cast %get3A_1659 : i32 to index
      %get3A_1661 = arith.constant 976 : index
      %get3A_1662 = tpu.vector_load %arg5[%get3A_1660, %get3A_1661] {strides = array<i32>} : memref<1x1024xf32, #tpu.memory_space<vmem>>, vector<16xf32>,
      %mul3A_1663 = arith.constant 1.200000e+01 : f32
      %mul3A_1664 = vector.broadcast %mul3A_1663 : f32 to vector<16xf32>
      %mul3A_1665 = arith.mulf %get3A_1662, %mul3A_1664 : vector<16xf32>
      %sub3A_1666 = arith.constant 6.000000e+00 : f32
      %sub3A_1667 = vector.broadcast %sub3A_1666 : f32 to vector<16xf32>
      %sub3A_1668 = arith.subf %mul3A_1665, %sub3A_1667 : vector<16xf32>
      %swap3A_1669 = arith.constant 976 : index
      %swap3A_1670 = tpu.vector_load %arg6[%swap3A_1669] {strides = array<i32>} : memref<1024xf32, #tpu.memory_space<vmem>>, vector<16xf32>,
      tpu.vector_store %arg6[%swap3A_1669], %sub3A_1668 {strides = array<i32>} : memref<1024xf32, #tpu.memory_space<vmem>>, vector<16xf32>,
      %get3A_1671 = arith.constant 0 : i32
      %get3A_1672 = arith.index_cast %get3A_1671 : i32 to index
      %get3A_1673 = arith.constant 992 : index
      %get3A_1674 = tpu.vector_load %arg5[%get3A_1672, %get3A_1673] {strides = array<i32>} : memref<1x1024xf32, #tpu.memory_space<vmem>>, vector<16xf32>,
      %mul3A_1675 = arith.constant 1.200000e+01 : f32
      %mul3A_1676 = vector.broadcast %mul3A_1675 : f32 to vector<16xf32>
      %mul3A_1677 = arith.mulf %get3A_1674, %mul3A_1676 : vector<16xf32>
      %sub3A_1678 = arith.constant 6.000000e+00 : f32
      %sub3A_1679 = vector.broadcast %sub3A_1678 : f32 to vector<16xf32>
      %sub3A_1680 = arith.subf %mul3A_1677, %sub3A_1679 : vector<16xf32>
      %swap3A_1681 = arith.constant 992 : index
      %swap3A_1682 = tpu.vector_load %arg6[%swap3A_1681] {strides = array<i32>} : memref<1024xf32, #tpu.memory_space<vmem>>, vector<16xf32>,
      tpu.vector_store %arg6[%swap3A_1681], %sub3A_1680 {strides = array<i32>} : memref<1024xf32, #tpu.memory_space<vmem>>, vector<16xf32>,
      %get3A_1683 = arith.constant 0 : i32
      %get3A_1684 = arith.index_cast %get3A_1683 : i32 to index
      %get3A_1685 = arith.constant 1008 : index
      %get3A_1686 = tpu.vector_load %arg5[%get3A_1684, %get3A_1685] {strides = array<i32>} : memref<1x1024xf32, #tpu.memory_space<vmem>>, vector<16xf32>,
      %mul3A_1687 = arith.constant 1.200000e+01 : f32
      %mul3A_1688 = vector.broadcast %mul3A_1687 : f32 to vector<16xf32>
      %mul3A_1689 = arith.mulf %get3A_1686, %mul3A_1688 : vector<16xf32>
      %sub3A_1690 = arith.constant 6.000000e+00 : f32
      %sub3A_1691 = vector.broadcast %sub3A_1690 : f32 to vector<16xf32>
      %sub3A_1692 = arith.subf %mul3A_1689, %sub3A_1691 : vector<16xf32>
      %swap3A_1693 = arith.constant 1008 : index
      %swap3A_1694 = tpu.vector_load %arg6[%swap3A_1693] {strides = array<i32>} : memref<1024xf32, #tpu.memory_space<vmem>>, vector<16xf32>,
      tpu.vector_store %arg6[%swap3A_1693], %sub3A_1692 {strides = array<i32>} : memref<1024xf32, #tpu.memory_space<vmem>>, vector<16xf32>,
      "tpu.region"() ({
        %run_scoped3A = tpu.sem_alloc : memref<!tpu.dma_semaphore, #tpu.memory_space<semaphore_mem>>
        %dma_start3A_1695 = arith.constant 16384 : i32
        %dma_start3A_1696 = tpu.memref_slice %arg3[%dma_start3A_1695] : memref<17408xf32, #tpu.memory_space<hbm>> -> memref<1024xf32, #tpu.memory_space<hbm>>
        %dma_start3A_1697 = arith.constant 16384 : i32
        %dma_start3A_1698 = tpu.memref_slice %arg3[%dma_start3A_1697] : memref<17408xf32, #tpu.memory_space<hbm>> -> memref<1024xf32, #tpu.memory_space<hbm>>
        tpu.enqueue_dma source(%arg6 : memref<1024xf32, #tpu.memory_space<vmem>>) target(%dma_start3A_1698 : memref<1024xf32, #tpu.memory_space<hbm>>) target_semaphore(%run_scoped3A : memref<!tpu.dma_semaphore, #tpu.memory_space<semaphore_mem>>)
        %dma_wait3A_1699 = arith.constant 16384 : i32
        %dma_wait3A_1700 = tpu.memref_slice %arg3[%dma_wait3A_1699] : memref<17408xf32, #tpu.memory_space<hbm>> -> memref<1024xf32, #tpu.memory_space<hbm>>
        %dma_wait3A_1701 = arith.constant 16384 : i32
        %dma_wait3A_1702 = tpu.memref_slice %arg3[%dma_wait3A_1701] : memref<17408xf32, #tpu.memory_space<hbm>> -> memref<1024xf32, #tpu.memory_space<hbm>>
        tpu.wait_dma2 semaphore(%run_scoped3A : memref<!tpu.dma_semaphore, #tpu.memory_space<semaphore_mem>>) src(%arg6 : memref<1024xf32, #tpu.memory_space<vmem>>) dst(%dma_wait3A_1702 : memref<1024xf32, #tpu.memory_space<hbm>>)
        tpu.yield
      }) : () -> ()
    } else {
    }
    return
  }
}

</mosaic_0001>

<sc_bundles>
// kernel: kernel.3.cloned.1.call-start
scs
__scs_entry_jumppad:
0x0: {  	(pc) =	sbr.rel $0x88, $3  }
0x1: {  	(tag) =	ssettag $0x0;
	lr =	simm.s32 $0x1  }
0x2: {  	[smem:$0x3FA0] =	sst lr;
	_ =	strace $0xD0000000  }
0x3: {  	_ = 	snop  }
0x4: {  	_ = 	snop  }
0x5: {  	_ = 	snop  }
0x6: {  	_ = 	snop  }
0x7: {  	_ = 	snop  }
__scs_overlays_trampoline_lowered:
0x8: {  	[smem:$0x3FAF] =	sst s0  }
0x9: {  	[smem:$0x3FB0] =	sst s1  }
0xa: {  	[smem:$0x3FB1] =	sst s2  }
0xb: {  	[smem:$0x3FB2] =	sst s3  }
0xc: {  	[smem:$0x3FB3] =	sst s4  }
0xd: {  	[smem:$0x3FB4] =	sst s5  }
0xe: {  	[smem:$0x3FB5] =	sst s6  }
0xf: {  	[smem:$0x3FB6] =	sst s7  }
0x10: {  	[smem:$0x3FB7] =	sst s8  }
0x11: {  	[smem:$0x3FB8] =	sst s9;
	s0 =	simm.s32 @!p0 $0x0  }
0x12: {  	s1 =	sld [smem:$0x3F9E];
	s0 =	simm.s32 @p0 $0x1  }
0x13: {  	[smem:$0x3FB9] =	sst s0;
	s0 =	simm.s32 @!p1 $0x0  }
0x14: {  	s2 =	sld [smem:$0x3F9D];
	s0 =	simm.s32 @p1 $0x1  }
0x15: {  	[smem:$0x3FBA] =	sst s0;
	s0 =	simm.s32 @!p2 $0x0  }
0x16: {  	s3 =	sld [smem:$0x3FDB];
	s0 =	simm.s32 @p2 $0x1  }
0x17: {  	s4 =	simm.s32 $0x1BF5;
	[smem:$0x3FBC] =	sst s0  }
0x18: {  	s0 =	sld [smem:$0x3F9F];
	_ =	swait.ge [sflag:s4], $0x0  }
0x19: {  	s7 =	sld [smem:$0x3FA0]  }
0x1a: {  	s8 =	sadd.s32 $0xFFFFE003, lr  }
0x1b: {  	s9 =	sadd.s32 $0xFFFFFEF7, lr;
	s5 =	simm.s32 $0xFFFFFFFF;
	p2 =	slt.u32 s8, $0xFFFFF086  }
0x1c: {  	p1 =	slt.u32 s9, $0xF7A;
	s5 =	simm.s32 @!p2 $0x0  }
0x1d: {  	s5 =	simm.s32 @p1 $0x1;
	p0 =	seq.s32 s7, s2  }
0x1e: {  	s7 =	smul.u32 @!p0 $0xF7A, s2;
	p2 =	seq.s32 @!p0 s5, $0x0  }
0x1f: {  	s9 =	smul.u32 $0xF7A, s1;
	s8 =	simm.s32 @!p0 $0x1BF5;
	p2 =	por !p2, p0  }
0x20: {  	[sflag:s8] =	ssyncset.s32 @!p0 $0xFFFFF086;
	s6 =	sadd.s32 @!p0 s3, s7;
	s7 =	simm.s32 @!p0 $0x108  }
0x21: {  	s3 =	sadd.s32 s3, s9;
	s6 =	sadd.s32 @!p0 $0x88, s6;
	s7 =	simm.s32 @p2 $0x1082  }
0x22: {  	[simem:s7], [sflag:s8] =	dma.local @!p0 [hbm:s6], $0xF7A  }
0x23: {  	s9 =	sor.u32 $0xD0000000, s2;
	s6 =	simm.s32 $0x108;
	_ =	swait.ge @!p0 [sflag:s8], $0x0  }
0x24: {  	s3 =	sadd.s32 $0x88, s3;
	s6 =	simm.s32 @!p1 $0x1082;
	[sflag:s4] =	ssyncset.s32 $0xFFFFF086  }
0x25: {  	[simem:s6], [sflag:s4] =	dma.local [hbm:s3], $0xF7A  }
0x26: {  	[smem:$0x3FA0] =	sst s1;
	(tag) =	ssettag s2;
	_ =	strace s9  }
0x27: {  	s1 =	sld [smem:$0x3FB0]  }
0x28: {  	s2 =	sld [smem:$0x3FB1]  }
0x29: {  	s4 =	sld [smem:$0x3FB3]  }
0x2a: {  	p0 =	seq.s32 s5, $0x0;
	s5 =	sld [smem:$0x3FB4]  }
0x2b: {  	s6 =	sld [smem:$0x3FB5]  }
0x2c: {  	s7 =	sld [smem:$0x3FB6]  }
0x2d: {  	s3 =	simm.s32 $0x108;
	s8 =	sld [smem:$0x3FB7]  }
0x2e: {  	s3 =	simm.s32 @!p0 $0x1082;
	s9 =	sld [smem:$0x3FB8]  }
0x2f: {  	lr =	sadd.s32 s0, s3;
	s0 =	sld [smem:$0x3FAF]  }
0x30: {  	s3 =	sld [smem:$0x3FB2]  }
0x31: {  	[smem:$0x3FBB] =	sst s10  }
0x32: {  	s10 =	sld [smem:$0x3FB9];
	_ =	sdelay $0x3  }
0x33: {  	p0 =	seq.s32 s10, $0x1;
	s10 =	sld [smem:$0x3FBB];
	_ =	sdelay $0x3  }
0x34: {  	[smem:$0x3FBB] =	sst s10  }
0x35: {  	s10 =	sld [smem:$0x3FBA];
	_ =	sdelay $0x3  }
0x36: {  	p1 =	seq.s32 s10, $0x1;
	s10 =	sld [smem:$0x3FBB];
	_ =	sdelay $0x3  }
0x37: {  	[smem:$0x3FBB] =	sst s10  }
0x38: {  	s10 =	sld [smem:$0x3FBC]  }
0x39: {  	_ = 	snop;
	(pc) =	sbr.ind lr, $3  }
0x3a: {  	_ = 	snop  }
0x3b: {  	_ = 	snop  }
0x3c: {  	p2 =	seq.s32 s10, $0x1;
	s10 =	sld [smem:$0x3FBB]  }
0x3d: {  	_ =	shalt  }
0x3e: {  	_ =	shalt  }
0x3f: {  	_ =	shalt  }
0x40: {  	_ =	shalt  }
0x41: {  	_ =	shalt  }
0x42: {  	_ =	shalt  }
0x43: {  	_ =	shalt  }
0x44: {  	_ =	shalt  }
0x45: {  	_ =	shalt  }
0x46: {  	_ =	shalt  }
0x47: {  	_ =	shalt  }
0x48: {  	_ =	shalt  }
0x49: {  	_ =	shalt  }
0x4a: {  	_ =	shalt  }
0x4b: {  	_ =	shalt  }
0x4c: {  	_ =	shalt  }
0x4d: {  	_ =	shalt  }
0x4e: {  	_ =	shalt  }
0x4f: {  	_ =	shalt  }
0x50: {  	_ =	shalt  }
0x51: {  	_ =	shalt  }
0x52: {  	_ =	shalt  }
0x53: {  	_ =	shalt  }
0x54: {  	_ =	shalt  }
0x55: {  	_ =	shalt  }
0x56: {  	_ =	shalt  }
0x57: {  	_ =	shalt  }
0x58: {  	_ =	shalt  }
0x59: {  	_ =	shalt  }
0x5a: {  	_ =	shalt  }
0x5b: {  	_ =	shalt  }
0x5c: {  	_ =	shalt  }
0x5d: {  	_ =	shalt  }
0x5e: {  	_ =	shalt  }
0x5f: {  	_ =	shalt  }
0x60: {  	_ =	shalt  }
0x61: {  	_ =	shalt  }
0x62: {  	_ =	shalt  }
0x63: {  	_ =	shalt  }
0x64: {  	_ =	shalt  }
0x65: {  	_ =	shalt  }
0x66: {  	_ =	shalt  }
0x67: {  	_ =	shalt  }
0x68: {  	_ =	shalt  }
0x69: {  	_ =	shalt  }
0x6a: {  	_ =	shalt  }
0x6b: {  	_ =	shalt  }
0x6c: {  	_ =	shalt  }
0x6d: {  	_ =	shalt  }
0x6e: {  	_ =	shalt  }
0x6f: {  	_ =	shalt  }
0x70: {  	_ =	shalt  }
0x71: {  	_ =	shalt  }
0x72: {  	_ =	shalt  }
0x73: {  	_ =	shalt  }
0x74: {  	_ =	shalt  }
0x75: {  	_ =	shalt  }
0x76: {  	_ =	shalt  }
0x77: {  	_ =	shalt  }
0x78: {  	_ =	shalt  }
0x79: {  	_ =	shalt  }
0x7a: {  	_ =	shalt  }
0x7b: {  	_ =	shalt  }
0x7c: {  	_ =	shalt  }
0x7d: {  	_ =	shalt  }
0x7e: {  	_ =	shalt  }
0x7f: {  	_ =	shalt  }
0x80: {  	_ =	shalt  }
0x81: {  	_ =	shalt  }
0x82: {  	_ =	shalt  }
0x83: {  	_ =	shalt  }
0x84: {  	_ =	shalt  }
0x85: {  	_ =	shalt  }
0x86: {  	_ =	shalt  }
0x87: {  	_ =	shalt  }
.Lfunc_end0:
.L_simem_size_0:
called_computation_lowered:
.L_overlay_start_0:
0x88: {  	s0 =	sld [smem:$0x3FD9]  }
0x89: {  	s1 =	sld [smem:$0x3FFE];
	_ =	sdelay $0x3  }
0x8a: {  	s0 =	sadd.s32 s1, s0  }
0x8b: {  	[smem:$0x3FC7] =	sst s0  }
0x8c: {  	_ = 	snop  }
0x8d: {  	s0 =	sld [smem:$0x3FC9];
	(tm) =	ssettm $0x1  }
0x8e: {  	s16 =	sld [smem:$0x3FFB];
	_ =	sdelay $0x3  }
0x8f: {  	_ =	strace s16  }
0x90: {  	s1 =	sld [smem:$0x3FFC];
	_ =	sdelay $0x3  }
0x91: {  	_ =	strace s1  }
0x92: {  	s1 =	sld [smem:$0x3FFD];
	_ =	sdelay $0x3  }
0x93: {  	_ =	strace s1  }
0x94: {  	_ =	strace $0x8FFFFFFF  }
0x95: {  	s17 =	sld [smem:$0x3FDB];
	_ =	sdelay $0x1  }
0x96: {  	s2 =	simm.s32 $_scs_section_size  }
0x97: {  	s3 =	simm.s32 $_size__tile_overlayer_lowered;
	s4 =	simm.s32 $_tile_overlayer_lowered  }
0x98: {  	s20 =	simm.s32 $0x1BFF;
	s19 =	sshll.u32 s4, $0x1;
	s1 =	sadd.s32 s2, s17  }
0x99: {  	s5 =	simm.s32 $0x0;
	s18 =	sshll.u32 s3, $0x1;
	s3 =	sadd.s32 s19, s1  }
0x9a: {  	[timem:s5], [sflag:s20] =	dma.local [hbm:s3], s18  }
0x9b: {  	_ =	swait.ge [sflag:s20], s18  }
0x9c: {  	s2 =	ssub.s32 $0x0, s18;
	[sflag:s20] =	ssyncset.done $0x0  }
0x9d: {  	[sflag:s20] =	ssyncadd.s32 s2;
	_ =	sdelay $0x1  }
0x9e: {  	s21 =	simm.s32 $0x1B8B  }
0x9f: {  	_ =	swait.ge [sflag:s21], $0x1  }
0xa0: {  	[sflag:s21] =	ssyncset.done $0x0  }
0xa1: {  	s23 =	simm.s32 $0x1B8E;
	s22 =	sld [smem:$0x3FFE];
	[sflag:s21] =	ssyncadd.s32 $0xFFFFFFFF  }
0xa2: {  	s24 =	simm.s32 $execute0_lowered;
	[smem:$0x3FD2] =	sst s23  }
0xa3: {  	s3 =	sshll.u32 s24, $0x1;
	_ =	strace $0x80000046;
	[dreg:$0x1] =	wrdreg $0xFFFFFFFF  }
0xa4: {  	s25 =	simm.s32 $_size_execute0_lowered;
	s1 =	sadd.s32 s1, s3;
	[dreg:$0x0] =	wrdreg $0x0  }
0xa5: {  	s3 =	sshll.u32 s25, $0x1;
	[dreg:$0x2] =	wrdreg s1  }
0xa6: {  	[dreg:$0x3] =	wrdreg s3  }
0xa7: {  	[dreg:$0x4] =	wrdreg $0xC0  }
0xa8: {  	_ =	task [dreg:s5], $0x5FFFF  }
0xa9: {  	[dreg:$0x1] =	wrdreg $0xFFFFFFFF  }
0xaa: {  	[dreg:$0x0] =	wrdreg $0x60  }
0xab: {  	[dreg:$0x2] =	wrdreg s0  }
0xac: {  	[dreg:$0x3] =	wrdreg s22  }
0xad: {  	[dreg:$0x4] =	wrdreg $0x9  }
0xae: {  	_ =	task.clear_ibuf [dreg:s5], $0x5FFFF;
	_ =	strace $0x90000046  }
0xaf: {  	s26 =	simm.s32 $0x9;
	_ =	strace $0x80000048  }
0xb0: {  	_ =	swait.ge [sflag:s26], $0x1  }
0xb1: {  	[sflag:s26] =	ssyncadd.s32 $0xFFFFFFFF  }
0xb2: {  	_ =	strace $0x90000048  }
0xb3: {  	_ =	sfence  }
0xb4: {  	s28 =	sld [smem:$0x0];
	_ =	sdelay $0x1  }
0xb5: {  	s29 =	srdreg.scid  }
0xb6: {  	s30 =	sshll.u32 s29, $0xD;
	s31 =	sshrl.u32 s29, $0x2  }
0xb7: {  	s2 =	sand.u32 $0x4000, s30;
	s1 =	sand.u32 $0x1, s29;
	s0 =	sadd.s32 s31, s28  }
0xb8: {  	s1 =	sor.u32 s2, s1;
	s0 =	sshll.u32 s0, $0x11  }
0xb9: {  	s0 =	sor.u32 s0, s1  }
0xba: {  	s0 =	sadd.s32 $0x8F2B, s0  }
0xbb: {  	[sflag:s0] =	ssyncadd.remote.s32 $0x1  }
0xbc: {  	_ =	sfence.sel $0xFFFF  }
0xbd: {  	[dreg:$0x0] =	wrdreg $0xFFFFFFFF;
	(pc) =	sbr.abs _section_cstart, $3  }
0xbe: {  	[dreg:$0x1] =	wrdreg $0xFFFFFFFF  }
0xbf: {  	_ =	task.clear_ibuf [dreg:s5], $0x2FFFF;
	_ =	strace $0x9FFFFFFF  }
0xc0: {  	(tm) =	ssettm $0x7FFFFFFF  }
0xc1: {  	_ =	shalt  }
tec
execute0_lowered:
.L_overlay_start_1:
0x0: {  	(tag) =	ssettag $0x1  }
0x1: {  	s2 =	rddreg [dreg:$0x0];
	vm0 =	vcmask $0x300;
	v0 =	vimm.s32 $0x0  }
0x2: {  	s3 =	rddreg [dreg:$0x1];
	s1 =	simm.s32 $0x0;
	vm1 =	vcmask $0x2320;
	v1 =	vsel vm0, $0x1, v0  }
0x3: {  	[smem:$0x7FF] =	sst s1;
	v2 =	vsel vm0, $0x4, v0;
	v1 =	vsel vm1, $0x2, v1  }
0x4: {  	s0 =	rddreg [dreg:$0x2];
	_ =	strace $0x80000047;
	[tilespmem:$0x0] =	vst v1;
	v1 =	vsel vm1, $0x8, v2;
	v2 =	vsel vm0, $0x10, v0  }
0x5: {  	[tilespmem:$0x10] =	vst v1;
	v1 =	vsel vm1, $0x20, v2;
	v2 =	vsel vm0, $0x40, v0  }
0x6: {  	[tilespmem:$0x20] =	vst v1;
	v1 =	vsel vm1, $0x80, v2;
	v2 =	vsel vm0, $0x100, v0  }
0x7: {  	[tilespmem:$0x30] =	vst v1;
	v1 =	vsel vm1, $0x200, v2;
	v2 =	vsel vm0, $0x400, v0  }
0x8: {  	[tilespmem:$0x40] =	vst v1;
	v1 =	vsel vm1, $0x800, v2;
	v2 =	vsel vm0, $0x1000, v0  }
0x9: {  	[tilespmem:$0x50] =	vst v1;
	v1 =	vsel vm1, $0x2000, v2;
	v2 =	vsel vm0, $0x4000, v0  }
0xa: {  	[tilespmem:$0x60] =	vst v1;
	v1 =	vsel vm1, $0x8000, v2  }
0xb: {  	s4 =	stileid.u32;
	[tilespmem:$0x70] =	vst v1;
	v1 =	vsel vm0, $0x10000, v0  }
0xc: {  	s5 =	sshll.u32 s4, $0x3;
	[tilespmem:$0x80] =	vst v1  }
0xd: {  	v1 =	vld.msk [tilespmem:s5+$0x0], $0x1;
	_ =	sdelay $0x4  }
0xe: {  	v2 =	vshll.u32 v1, $0x3  }
0xf: {  	v1 =	vand.u32 $0x7, v1;
	v2 =	vand.u32 $0xFFFFFFC0, v2  }
0x10: {  	v1 =	vor.u32 v1, v2;
	v2 =	vlaneseq.u32  }
0x11: {  	v3 =	vperm.xlane v1, v0;
	v1 =	vmul.u32 $0x8, v2;
	_ =	sdelay $0x1  }
0x12: {  	v2 =	vadd.s32 v1, v3;
	_ =	sdelay $0x3  }
0x13: {  	s6 =	simm.s32 $0x100;
	vm0 =	vmmov $0xff;
	s5 =	simm.s32 $0x1  }
0x14: {  	[tilespmem:s6], [sflag:$0x1] =	stream.indirect_vreg.gather [hbm4b:s2+s1], $0x80, v2, vm0, $0xb8;
	[tilespmem:$0x900] =	vst v63  }
0x15: {  	_ =	swait.ge [sflag:s5], $0x400  }
0x16: {  	[sflag:s5] =	ssyncset.done $0x0  }
0x17: {  	[sflag:s5] =	ssyncadd.s32 $0xFFFFFC00  }
0x18: {  	v2 =	vld [tilespmem:$0x100]  }
0x19: {  	v3 =	vld [tilespmem:$0x110]  }
0x1a: {  	v4 =	vld [tilespmem:$0x120]  }
0x1b: {  	v5 =	vld [tilespmem:$0x130]  }
0x1c: {  	v6 =	vld [tilespmem:$0x140]  }
0x1d: {  	v7 =	vld [tilespmem:$0x150];
	v2 =	vmul.f32 $1.200000000e+01, v2  }
0x1e: {  	v8 =	vld [tilespmem:$0x160];
	v3 =	vmul.f32 $1.200000000e+01, v3  }
0x1f: {  	v9 =	vld [tilespmem:$0x170];
	v4 =	vmul.f32 $1.200000000e+01, v4;
	v2 =	vadd.f32 $-6.000000000e+00, v2  }
0x20: {  	v10 =	vld [tilespmem:$0x180];
	v5 =	vmul.f32 $1.200000000e+01, v5;
	v3 =	vadd.f32 $-6.000000000e+00, v3  }
0x21: {  	v55 =	vld [tilespmem:$0x190];
	v54 =	vmul.f32 $1.200000000e+01, v6;
	[tilespmem:$0x500] =	vst v2;
	v2 =	vadd.f32 $-6.000000000e+00, v4  }
0x22: {  	v57 =	vld [tilespmem:$0x1A0];
	v56 =	vmul.f32 $1.200000000e+01, v7;
	[tilespmem:$0x510] =	vst v3;
	v3 =	vadd.f32 $-6.000000000e+00, v5  }
0x23: {  	v59 =	vld [tilespmem:$0x1B0];
	v58 =	vmul.f32 $1.200000000e+01, v8;
	[tilespmem:$0x520] =	vst v2;
	v2 =	vadd.f32 $-6.000000000e+00, v54  }
0x24: {  	v61 =	vld [tilespmem:$0x1C0];
	v60 =	vmul.f32 $1.200000000e+01, v9;
	[tilespmem:$0x530] =	vst v3;
	v3 =	vadd.f32 $-6.000000000e+00, v56  }
0x25: {  	v63 =	vld [tilespmem:$0x1D0];
	v62 =	vmul.f32 $1.200000000e+01, v10;
	[tilespmem:$0x540] =	vst v2;
	v2 =	vadd.f32 $-6.000000000e+00, v58  }
0x26: {  	v12 =	vld [tilespmem:$0x1E0];
	v11 =	vmul.f32 $1.200000000e+01, v55;
	[tilespmem:$0x550] =	vst v3;
	v3 =	vadd.f32 $-6.000000000e+00, v60  }
0x27: {  	v14 =	vld [tilespmem:$0x1F0];
	v13 =	vmul.f32 $1.200000000e+01, v57;
	[tilespmem:$0x560] =	vst v2;
	v2 =	vadd.f32 $-6.000000000e+00, v62  }
0x28: {  	v16 =	vld [tilespmem:$0x200];
	v15 =	vmul.f32 $1.200000000e+01, v59;
	[tilespmem:$0x570] =	vst v3;
	v3 =	vadd.f32 $-6.000000000e+00, v11  }
0x29: {  	v18 =	vld [tilespmem:$0x210];
	v17 =	vmul.f32 $1.200000000e+01, v61;
	[tilespmem:$0x580] =	vst v2;
	v2 =	vadd.f32 $-6.000000000e+00, v13  }
0x2a: {  	v20 =	vld [tilespmem:$0x220];
	v19 =	vmul.f32 $1.200000000e+01, v63;
	[tilespmem:$0x590] =	vst v3;
	v3 =	vadd.f32 $-6.000000000e+00, v15  }
0x2b: {  	v22 =	vld [tilespmem:$0x230];
	v21 =	vmul.f32 $1.200000000e+01, v12;
	[tilespmem:$0x5A0] =	vst v2;
	v2 =	vadd.f32 $-6.000000000e+00, v17  }
0x2c: {  	v24 =	vld [tilespmem:$0x240];
	v23 =	vmul.f32 $1.200000000e+01, v14;
	[tilespmem:$0x5B0] =	vst v3;
	v3 =	vadd.f32 $-6.000000000e+00, v19  }
0x2d: {  	v26 =	vld [tilespmem:$0x250];
	v25 =	vmul.f32 $1.200000000e+01, v16;
	[tilespmem:$0x5C0] =	vst v2;
	v2 =	vadd.f32 $-6.000000000e+00, v21  }
0x2e: {  	v28 =	vld [tilespmem:$0x260];
	v27 =	vmul.f32 $1.200000000e+01, v18;
	[tilespmem:$0x5D0] =	vst v3;
	v3 =	vadd.f32 $-6.000000000e+00, v23  }
0x2f: {  	v30 =	vld [tilespmem:$0x270];
	v29 =	vmul.f32 $1.200000000e+01, v20;
	[tilespmem:$0x5E0] =	vst v2;
	v2 =	vadd.f32 $-6.000000000e+00, v25  }
0x30: {  	v32 =	vld [tilespmem:$0x280];
	v31 =	vmul.f32 $1.200000000e+01, v22;
	[tilespmem:$0x5F0] =	vst v3;
	v3 =	vadd.f32 $-6.000000000e+00, v27  }
0x31: {  	v34 =	vld [tilespmem:$0x290];
	v33 =	vmul.f32 $1.200000000e+01, v24;
	[tilespmem:$0x600] =	vst v2;
	v2 =	vadd.f32 $-6.000000000e+00, v29  }
0x32: {  	v36 =	vld [tilespmem:$0x2A0];
	v35 =	vmul.f32 $1.200000000e+01, v26;
	[tilespmem:$0x610] =	vst v3;
	v3 =	vadd.f32 $-6.000000000e+00, v31  }
0x33: {  	v38 =	vld [tilespmem:$0x2B0];
	v37 =	vmul.f32 $1.200000000e+01, v28;
	[tilespmem:$0x620] =	vst v2;
	v2 =	vadd.f32 $-6.000000000e+00, v33  }
0x34: {  	v40 =	vld [tilespmem:$0x2C0];
	v39 =	vmul.f32 $1.200000000e+01, v30;
	[tilespmem:$0x630] =	vst v3;
	v3 =	vadd.f32 $-6.000000000e+00, v35  }
0x35: {  	v42 =	vld [tilespmem:$0x2D0];
	v41 =	vmul.f32 $1.200000000e+01, v32;
	[tilespmem:$0x640] =	vst v2;
	v2 =	vadd.f32 $-6.000000000e+00, v37  }
0x36: {  	v44 =	vld [tilespmem:$0x2E0];
	v43 =	vmul.f32 $1.200000000e+01, v34;
	[tilespmem:$0x650] =	vst v3;
	v3 =	vadd.f32 $-6.000000000e+00, v39  }
0x37: {  	v46 =	vld [tilespmem:$0x2F0];
	v45 =	vmul.f32 $1.200000000e+01, v36;
	[tilespmem:$0x660] =	vst v2;
	v2 =	vadd.f32 $-6.000000000e+00, v41  }
0x38: {  	v48 =	vld [tilespmem:$0x300];
	v47 =	vmul.f32 $1.200000000e+01, v38;
	[tilespmem:$0x670] =	vst v3;
	v3 =	vadd.f32 $-6.000000000e+00, v43  }
0x39: {  	v50 =	vld [tilespmem:$0x310];
	v49 =	vmul.f32 $1.200000000e+01, v40;
	[tilespmem:$0x680] =	vst v2;
	v2 =	vadd.f32 $-6.000000000e+00, v45  }
0x3a: {  	v52 =	vld [tilespmem:$0x320];
	v51 =	vmul.f32 $1.200000000e+01, v42;
	[tilespmem:$0x690] =	vst v3;
	v3 =	vadd.f32 $-6.000000000e+00, v47  }
0x3b: {  	v53 =	vmul.f32 $1.200000000e+01, v44;
	v54 =	vld [tilespmem:$0x330];
	[tilespmem:$0x6A0] =	vst v2;
	v2 =	vadd.f32 $-6.000000000e+00, v49  }
0x3c: {  	v55 =	vmul.f32 $1.200000000e+01, v46;
	v56 =	vld [tilespmem:$0x340];
	[tilespmem:$0x6B0] =	vst v3;
	v3 =	vadd.f32 $-6.000000000e+00, v51  }
0x3d: {  	v57 =	vmul.f32 $1.200000000e+01, v48;
	v58 =	vld [tilespmem:$0x350];
	[tilespmem:$0x6C0] =	vst v2;
	v2 =	vadd.f32 $-6.000000000e+00, v53  }
0x3e: {  	v59 =	vmul.f32 $1.200000000e+01, v50;
	v60 =	vld [tilespmem:$0x360];
	[tilespmem:$0x6D0] =	vst v3;
	v3 =	vadd.f32 $-6.000000000e+00, v55  }
0x3f: {  	v61 =	vmul.f32 $1.200000000e+01, v52;
	v62 =	vld [tilespmem:$0x370];
	[tilespmem:$0x6E0] =	vst v2;
	v2 =	vadd.f32 $-6.000000000e+00, v57  }
0x40: {  	v12 =	vld [tilespmem:$0x380];
	v63 =	vmul.f32 $1.200000000e+01, v54;
	[tilespmem:$0x6F0] =	vst v3;
	v3 =	vadd.f32 $-6.000000000e+00, v59  }
0x41: {  	v14 =	vld [tilespmem:$0x390];
	v13 =	vmul.f32 $1.200000000e+01, v56;
	[tilespmem:$0x700] =	vst v2;
	v2 =	vadd.f32 $-6.000000000e+00, v61  }
0x42: {  	v16 =	vld [tilespmem:$0x3A0];
	v15 =	vmul.f32 $1.200000000e+01, v58;
	[tilespmem:$0x710] =	vst v3;
	v3 =	vadd.f32 $-6.000000000e+00, v63  }
0x43: {  	v18 =	vld [tilespmem:$0x3B0];
	v17 =	vmul.f32 $1.200000000e+01, v60;
	[tilespmem:$0x720] =	vst v2;
	v2 =	vadd.f32 $-6.000000000e+00, v13  }
0x44: {  	v20 =	vld [tilespmem:$0x3C0];
	v19 =	vmul.f32 $1.200000000e+01, v62;
	[tilespmem:$0x730] =	vst v3;
	v3 =	vadd.f32 $-6.000000000e+00, v15  }
0x45: {  	v22 =	vld [tilespmem:$0x3D0];
	v21 =	vmul.f32 $1.200000000e+01, v12;
	[tilespmem:$0x740] =	vst v2;
	v2 =	vadd.f32 $-6.000000000e+00, v17  }
0x46: {  	v24 =	vld [tilespmem:$0x3E0];
	v23 =	vmul.f32 $1.200000000e+01, v14;
	[tilespmem:$0x750] =	vst v3;
	v3 =	vadd.f32 $-6.000000000e+00, v19  }
0x47: {  	v26 =	vld [tilespmem:$0x3F0];
	v25 =	vmul.f32 $1.200000000e+01, v16;
	[tilespmem:$0x760] =	vst v2;
	v2 =	vadd.f32 $-6.000000000e+00, v21  }
0x48: {  	v28 =	vld [tilespmem:$0x400];
	v27 =	vmul.f32 $1.200000000e+01, v18;
	[tilespmem:$0x770] =	vst v3;
	v3 =	vadd.f32 $-6.000000000e+00, v23  }
0x49: {  	v30 =	vld [tilespmem:$0x410];
	v29 =	vmul.f32 $1.200000000e+01, v20;
	[tilespmem:$0x780] =	vst v2;
	v2 =	vadd.f32 $-6.000000000e+00, v25  }
0x4a: {  	v32 =	vld [tilespmem:$0x420];
	v31 =	vmul.f32 $1.200000000e+01, v22;
	[tilespmem:$0x790] =	vst v3;
	v3 =	vadd.f32 $-6.000000000e+00, v27  }
0x4b: {  	v34 =	vld [tilespmem:$0x430];
	v33 =	vmul.f32 $1.200000000e+01, v24;
	[tilespmem:$0x7A0] =	vst v2;
	v2 =	vadd.f32 $-6.000000000e+00, v29  }
0x4c: {  	v36 =	vld [tilespmem:$0x440];
	v35 =	vmul.f32 $1.200000000e+01, v26;
	[tilespmem:$0x7B0] =	vst v3;
	v3 =	vadd.f32 $-6.000000000e+00, v31  }
0x4d: {  	v38 =	vld [tilespmem:$0x450];
	v37 =	vmul.f32 $1.200000000e+01, v28;
	[tilespmem:$0x7C0] =	vst v2;
	v2 =	vadd.f32 $-6.000000000e+00, v33  }
0x4e: {  	v40 =	vld [tilespmem:$0x460];
	v39 =	vmul.f32 $1.200000000e+01, v30;
	[tilespmem:$0x7D0] =	vst v3;
	v3 =	vadd.f32 $-6.000000000e+00, v35  }
0x4f: {  	v42 =	vld [tilespmem:$0x470];
	v41 =	vmul.f32 $1.200000000e+01, v32;
	[tilespmem:$0x7E0] =	vst v2;
	v2 =	vadd.f32 $-6.000000000e+00, v37  }
0x50: {  	v44 =	vld [tilespmem:$0x480];
	v43 =	vmul.f32 $1.200000000e+01, v34;
	[tilespmem:$0x7F0] =	vst v3;
	v3 =	vadd.f32 $-6.000000000e+00, v39  }
0x51: {  	v46 =	vld [tilespmem:$0x490];
	v45 =	vmul.f32 $1.200000000e+01, v36;
	[tilespmem:$0x800] =	vst v2;
	v2 =	vadd.f32 $-6.000000000e+00, v41  }
0x52: {  	v48 =	vld [tilespmem:$0x4A0];
	v47 =	vmul.f32 $1.200000000e+01, v38;
	[tilespmem:$0x810] =	vst v3;
	v3 =	vadd.f32 $-6.000000000e+00, v43  }
0x53: {  	v50 =	vld [tilespmem:$0x4B0];
	v49 =	vmul.f32 $1.200000000e+01, v40;
	[tilespmem:$0x820] =	vst v2;
	v2 =	vadd.f32 $-6.000000000e+00, v45  }
0x54: {  	v52 =	vld [tilespmem:$0x4C0];
	v51 =	vmul.f32 $1.200000000e+01, v42;
	[tilespmem:$0x830] =	vst v3;
	v3 =	vadd.f32 $-6.000000000e+00, v47  }
0x55: {  	v54 =	vld [tilespmem:$0x4D0];
	v53 =	vmul.f32 $1.200000000e+01, v44;
	[tilespmem:$0x840] =	vst v2;
	v2 =	vadd.f32 $-6.000000000e+00, v49  }
0x56: {  	v56 =	vld [tilespmem:$0x4E0];
	v55 =	vmul.f32 $1.200000000e+01, v46;
	[tilespmem:$0x850] =	vst v3;
	v3 =	vadd.f32 $-6.000000000e+00, v51  }
0x57: {  	v58 =	vld [tilespmem:$0x4F0];
	v57 =	vmul.f32 $1.200000000e+01, v48;
	[tilespmem:$0x860] =	vst v2;
	v2 =	vadd.f32 $-6.000000000e+00, v53  }
0x58: {  	v59 =	vmul.f32 $1.200000000e+01, v50;
	[tilespmem:$0x870] =	vst v3;
	v3 =	vadd.f32 $-6.000000000e+00, v55  }
0x59: {  	v60 =	vmul.f32 $1.200000000e+01, v52;
	[tilespmem:$0x880] =	vst v2;
	v2 =	vadd.f32 $-6.000000000e+00, v57  }
0x5a: {  	v61 =	vmul.f32 $1.200000000e+01, v54;
	[tilespmem:$0x890] =	vst v3;
	v3 =	vadd.f32 $-6.000000000e+00, v59  }
0x5b: {  	v62 =	vmul.f32 $1.200000000e+01, v56;
	[tilespmem:$0x8A0] =	vst v2;
	v2 =	vadd.f32 $-6.000000000e+00, v60  }
0x5c: {  	v63 =	vmul.f32 $1.200000000e+01, v58;
	[tilespmem:$0x8B0] =	vst v3;
	v3 =	vadd.f32 $-6.000000000e+00, v61  }
0x5d: {  	[tilespmem:$0x8C0] =	vst v2;
	v2 =	vadd.f32 $-6.000000000e+00, v62  }
0x5e: {  	[tilespmem:$0x8D0] =	vst v3;
	v3 =	vadd.f32 $-6.000000000e+00, v63  }
0x5f: {  	s3 =	sadd.s32 $0x400, s3;
	s7 =	sshll.u32 s4, $0x7;
	[tilespmem:$0x8E0] =	vst v2  }
0x60: {  	s8 =	simm.s32 $0x500;
	s7 =	sadd.s32 s3, s7;
	[tilespmem:$0x8F0] =	vst v3  }
0x61: {  	[hbm4b:s7+s1] =	stream.linear.scatter [tilespmem:s8], [sflag:$0x2], $0x400, $0x38;
	[tilespmem:$0x900] =	vst v63  }
0x62: {  	s7 =	simm.s32 $0x2  }
0x63: {  	_ =	swait.ge [sflag:s7], $0x400  }
0x64: {  	[sflag:s7] =	ssyncset.done $0x0  }
0x65: {  	p0 =	sne.s32 s4, $0x0;
	[sflag:s7] =	ssyncadd.s32 $0xFFFFFC00  }
0x66: {  	_ =	sfence.sel @p0 $0x180000  }
0x67: {  	[bflag:$0x0] =	sbarrier.arrive @p0 $0xFFFF  }
0x68: {  	_ =	strace @p0 $0x90000047  }
0x69: {  	[bflag:$0x2] =	sbarrier.arrive @p0 $0xFFFF  }
0x6a: {  	_ =	shalt @p0  }
.LBB2_1:
0x6b: {  	v2 =	vld.msk [tilespmem:$0x80], $0x1;
	_ =	sdelay $0x4  }
0x6c: {  	v3 =	vshll.u32 v2, $0x3  }
0x6d: {  	v2 =	vand.u32 $0x7, v2;
	v3 =	vand.u32 $0xFFFFFFC0, v3  }
0x6e: {  	v2 =	vor.u32 v2, v3  }
0x6f: {  	v0 =	vperm.xlane v2, v0;
	_ =	sdelay $0x1  }
0x70: {  	v0 =	vadd.s32 v1, v0;
	_ =	sdelay $0x4  }
0x71: {  	[tilespmem:s6], [sflag:$0x1] =	stream.indirect_vreg.gather [hbm4b:s2+s1], $0x80, v0, vm0, $0xb8;
	[tilespmem:$0x900] =	vst v63  }
0x72: {  	_ =	swait.ge [sflag:s5], $0x400  }
0x73: {  	[sflag:s5] =	ssyncset.done $0x0  }
0x74: {  	[sflag:s5] =	ssyncadd.s32 $0xFFFFFC00  }
0x75: {  	v42 =	vld [tilespmem:$0x100]  }
0x76: {  	v43 =	vld [tilespmem:$0x110]  }
0x77: {  	v44 =	vld [tilespmem:$0x120]  }
0x78: {  	v45 =	vld [tilespmem:$0x130]  }
0x79: {  	v4 =	vld [tilespmem:$0x140]  }
0x7a: {  	v5 =	vld [tilespmem:$0x150]  }
0x7b: {  	v6 =	vld [tilespmem:$0x160]  }
0x7c: {  	v7 =	vld [tilespmem:$0x170]  }
0x7d: {  	v8 =	vld [tilespmem:$0x180]  }
0x7e: {  	v48 =	vld [tilespmem:$0x190]  }
0x7f: {  	v51 =	vld [tilespmem:$0x1A0];
	v0 =	vmul.f32 $1.200000000e+01, v42  }
0x80: {  	v54 =	vld [tilespmem:$0x1B0];
	v1 =	vmul.f32 $1.200000000e+01, v43  }
0x81: {  	v57 =	vld [tilespmem:$0x1C0];
	v2 =	vmul.f32 $1.200000000e+01, v44;
	v0 =	vadd.f32 $-6.000000000e+00, v0  }
0x82: {  	v60 =	vld [tilespmem:$0x1D0];
	v3 =	vmul.f32 $1.200000000e+01, v45;
	v1 =	vadd.f32 $-6.000000000e+00, v1  }
0x83: {  	v63 =	vld [tilespmem:$0x1E0];
	v47 =	vmul.f32 $1.200000000e+01, v4;
	v46 =	vadd.f32 $-6.000000000e+00, v2;
	[tilespmem:$0x500] =	vst v0  }
0x84: {  	v13 =	vld [tilespmem:$0x1F0];
	v50 =	vmul.f32 $1.200000000e+01, v5;
	v49 =	vadd.f32 $-6.000000000e+00, v3;
	[tilespmem:$0x510] =	vst v1  }
0x85: {  	v16 =	vld [tilespmem:$0x200];
	v53 =	vmul.f32 $1.200000000e+01, v6;
	v52 =	vadd.f32 $-6.000000000e+00, v47;
	[tilespmem:$0x520] =	vst v46  }
0x86: {  	v19 =	vld [tilespmem:$0x210];
	v56 =	vmul.f32 $1.200000000e+01, v7;
	v55 =	vadd.f32 $-6.000000000e+00, v50;
	[tilespmem:$0x530] =	vst v49  }
0x87: {  	v22 =	vld [tilespmem:$0x220];
	v59 =	vmul.f32 $1.200000000e+01, v8;
	v58 =	vadd.f32 $-6.000000000e+00, v53;
	[tilespmem:$0x540] =	vst v52  }
0x88: {  	v25 =	vld [tilespmem:$0x230];
	v62 =	vmul.f32 $1.200000000e+01, v48;
	v61 =	vadd.f32 $-6.000000000e+00, v56;
	[tilespmem:$0x550] =	vst v55  }
0x89: {  	v28 =	vld [tilespmem:$0x240];
	v12 =	vmul.f32 $1.200000000e+01, v51;
	v11 =	vadd.f32 $-6.000000000e+00, v59;
	[tilespmem:$0x560] =	vst v58  }
0x8a: {  	v31 =	vld [tilespmem:$0x250];
	v15 =	vmul.f32 $1.200000000e+01, v54;
	v14 =	vadd.f32 $-6.000000000e+00, v62;
	[tilespmem:$0x570] =	vst v61  }
0x8b: {  	v34 =	vld [tilespmem:$0x260];
	v18 =	vmul.f32 $1.200000000e+01, v57;
	v17 =	vadd.f32 $-6.000000000e+00, v12;
	[tilespmem:$0x580] =	vst v11  }
0x8c: {  	v37 =	vld [tilespmem:$0x270];
	v21 =	vmul.f32 $1.200000000e+01, v60;
	v20 =	vadd.f32 $-6.000000000e+00, v15;
	[tilespmem:$0x590] =	vst v14  }
0x8d: {  	v40 =	vld [tilespmem:$0x280];
	v24 =	vmul.f32 $1.200000000e+01, v63;
	v23 =	vadd.f32 $-6.000000000e+00, v18;
	[tilespmem:$0x5A0] =	vst v17  }
0x8e: {  	v27 =	vmul.f32 $1.200000000e+01, v13;
	v43 =	vld [tilespmem:$0x290];
	v26 =	vadd.f32 $-6.000000000e+00, v21;
	[tilespmem:$0x5B0] =	vst v20  }
0x8f: {  	v30 =	vmul.f32 $1.200000000e+01, v16;
	v29 =	vadd.f32 $-6.000000000e+00, v24;
	v12 =	vld [tilespmem:$0x300];
	[tilespmem:$0x5C0] =	vst v23  }
0x90: {  	v33 =	vmul.f32 $1.200000000e+01, v19;
	v32 =	vadd.f32 $-6.000000000e+00, v27;
	v15 =	vld [tilespmem:$0x310];
	[tilespmem:$0x5D0] =	vst v26  }
0x91: {  	v36 =	vmul.f32 $1.200000000e+01, v22;
	v35 =	vadd.f32 $-6.000000000e+00, v30;
	v18 =	vld [tilespmem:$0x320];
	[tilespmem:$0x5E0] =	vst v29  }
0x92: {  	v39 =	vmul.f32 $1.200000000e+01, v25;
	v38 =	vadd.f32 $-6.000000000e+00, v33;
	v21 =	vld [tilespmem:$0x330];
	[tilespmem:$0x5F0] =	vst v32  }
0x93: {  	v42 =	vmul.f32 $1.200000000e+01, v28;
	v41 =	vadd.f32 $-6.000000000e+00, v36;
	v24 =	vld [tilespmem:$0x340];
	[tilespmem:$0x600] =	vst v35  }
0x94: {  	v45 =	vmul.f32 $1.200000000e+01, v31;
	v44 =	vadd.f32 $-6.000000000e+00, v39;
	v27 =	vld [tilespmem:$0x350];
	[tilespmem:$0x610] =	vst v38  }
0x95: {  	v48 =	vmul.f32 $1.200000000e+01, v34;
	v47 =	vadd.f32 $-6.000000000e+00, v42;
	v30 =	vld [tilespmem:$0x360];
	[tilespmem:$0x620] =	vst v41  }
0x96: {  	v51 =	vmul.f32 $1.200000000e+01, v37;
	v50 =	vadd.f32 $-6.000000000e+00, v45;
	v33 =	vld [tilespmem:$0x370];
	[tilespmem:$0x630] =	vst v44  }
0x97: {  	v54 =	vmul.f32 $1.200000000e+01, v40;
	v53 =	vadd.f32 $-6.000000000e+00, v48;
	v36 =	vld [tilespmem:$0x380];
	[tilespmem:$0x640] =	vst v47  }
0x98: {  	v56 =	vadd.f32 $-6.000000000e+00, v51;
	v39 =	vld [tilespmem:$0x390];
	[tilespmem:$0x650] =	vst v50;
	v57 =	vmul.f32 $1.200000000e+01, v43  }
0x99: {  	v59 =	vadd.f32 $-6.000000000e+00, v54;
	v42 =	vld [tilespmem:$0x3A0];
	[tilespmem:$0x660] =	vst v53;
	v26 =	vmul.f32 $1.200000000e+01, v12  }
0x9a: {  	v45 =	vld [tilespmem:$0x3B0];
	[tilespmem:$0x670] =	vst v56;
	v62 =	vadd.f32 $-6.000000000e+00, v57;
	v29 =	vmul.f32 $1.200000000e+01, v15  }
0x9b: {  	v46 =	vld [tilespmem:$0x2A0];
	[tilespmem:$0x680] =	vst v59;
	v32 =	vmul.f32 $1.200000000e+01, v18;
	v31 =	vadd.f32 $-6.000000000e+00, v26  }
0x9c: {  	v49 =	vld [tilespmem:$0x2B0];
	v35 =	vmul.f32 $1.200000000e+01, v21;
	[tilespmem:$0x690] =	vst v62;
	v34 =	vadd.f32 $-6.000000000e+00, v29  }
0x9d: {  	v52 =	vld [tilespmem:$0x2C0];
	v38 =	vmul.f32 $1.200000000e+01, v24;
	v37 =	vadd.f32 $-6.000000000e+00, v32;
	[tilespmem:$0x700] =	vst v31  }
0x9e: {  	v55 =	vld [tilespmem:$0x2D0];
	v41 =	vmul.f32 $1.200000000e+01, v27;
	v40 =	vadd.f32 $-6.000000000e+00, v35;
	[tilespmem:$0x710] =	vst v34  }
0x9f: {  	v58 =	vld [tilespmem:$0x2E0];
	v44 =	vmul.f32 $1.200000000e+01, v30;
	v43 =	vadd.f32 $-6.000000000e+00, v38;
	[tilespmem:$0x720] =	vst v37  }
0xa0: {  	v61 =	vld [tilespmem:$0x2F0];
	v47 =	vmul.f32 $1.200000000e+01, v33;
	v60 =	vmul.f32 $1.200000000e+01, v46;
	v46 =	vadd.f32 $-6.000000000e+00, v41;
	[tilespmem:$0x730] =	vst v40  }
0xa1: {  	v50 =	vmul.f32 $1.200000000e+01, v36;
	v63 =	vmul.f32 $1.200000000e+01, v49;
	v49 =	vadd.f32 $-6.000000000e+00, v44;
	[tilespmem:$0x740] =	vst v43  }
0xa2: {  	v53 =	vmul.f32 $1.200000000e+01, v39;
	v14 =	vmul.f32 $1.200000000e+01, v52;
	v52 =	vadd.f32 $-6.000000000e+00, v47;
	[tilespmem:$0x750] =	vst v46  }
0xa3: {  	v56 =	vmul.f32 $1.200000000e+01, v42;
	v17 =	vmul.f32 $1.200000000e+01, v55;
	v55 =	vadd.f32 $-6.000000000e+00, v50;
	[tilespmem:$0x760] =	vst v49  }
0xa4: {  	v59 =	vmul.f32 $1.200000000e+01, v45;
	v20 =	vmul.f32 $1.200000000e+01, v58;
	v58 =	vadd.f32 $-6.000000000e+00, v53;
	[tilespmem:$0x770] =	vst v52  }
0xa5: {  	v48 =	vld [tilespmem:$0x3C0];
	v23 =	vmul.f32 $1.200000000e+01, v61;
	v61 =	vadd.f32 $-6.000000000e+00, v56;
	[tilespmem:$0x780] =	vst v55  }
0xa6: {  	v51 =	vld [tilespmem:$0x3D0];
	v10 =	vadd.f32 $-6.000000000e+00, v59;
	[tilespmem:$0x790] =	vst v58  }
0xa7: {  	v54 =	vld [tilespmem:$0x3E0];
	v13 =	vadd.f32 $-6.000000000e+00, v60;
	[tilespmem:$0x7A0] =	vst v61  }
0xa8: {  	v57 =	vld [tilespmem:$0x3F0];
	v16 =	vadd.f32 $-6.000000000e+00, v63;
	[tilespmem:$0x7B0] =	vst v10  }
0xa9: {  	v12 =	vld [tilespmem:$0x420];
	v19 =	vadd.f32 $-6.000000000e+00, v14;
	[tilespmem:$0x6A0] =	vst v13  }
0xaa: {  	v15 =	vld [tilespmem:$0x430];
	v22 =	vadd.f32 $-6.000000000e+00, v17;
	[tilespmem:$0x6B0] =	vst v16  }
0xab: {  	v18 =	vld [tilespmem:$0x440];
	v62 =	vmul.f32 $1.200000000e+01, v48;
	v25 =	vadd.f32 $-6.000000000e+00, v20;
	[tilespmem:$0x6C0] =	vst v19  }
0xac: {  	v11 =	vmul.f32 $1.200000000e+01, v51;
	v21 =	vld [tilespmem:$0x450];
	v28 =	vadd.f32 $-6.000000000e+00, v23;
	[tilespmem:$0x6D0] =	vst v22  }
0xad: {  	v24 =	vld [tilespmem:$0x460];
	v14 =	vmul.f32 $1.200000000e+01, v54;
	[tilespmem:$0x6E0] =	vst v25;
	v13 =	vadd.f32 $-6.000000000e+00, v62  }
0xae: {  	v27 =	vld [tilespmem:$0x470];
	v17 =	vmul.f32 $1.200000000e+01, v57;
	[tilespmem:$0x6F0] =	vst v28;
	v16 =	vadd.f32 $-6.000000000e+00, v11  }
0xaf: {  	v30 =	vld [tilespmem:$0x480];
	v26 =	vmul.f32 $1.200000000e+01, v12;
	v19 =	vadd.f32 $-6.000000000e+00, v14;
	[tilespmem:$0x7C0] =	vst v13  }
0xb0: {  	v33 =	vld [tilespmem:$0x490];
	v29 =	vmul.f32 $1.200000000e+01, v15;
	v22 =	vadd.f32 $-6.000000000e+00, v17;
	[tilespmem:$0x7D0] =	vst v16  }
0xb1: {  	v36 =	vld [tilespmem:$0x4A0];
	v32 =	vmul.f32 $1.200000000e+01, v18;
	v31 =	vadd.f32 $-6.000000000e+00, v26;
	[tilespmem:$0x7E0] =	vst v19  }
0xb2: {  	v39 =	vld [tilespmem:$0x4B0];
	v35 =	vmul.f32 $1.200000000e+01, v21;
	v34 =	vadd.f32 $-6.000000000e+00, v29;
	[tilespmem:$0x7F0] =	vst v22  }
0xb3: {  	v42 =	vld [tilespmem:$0x4C0];
	v38 =	vmul.f32 $1.200000000e+01, v24;
	v37 =	vadd.f32 $-6.000000000e+00, v32;
	[tilespmem:$0x820] =	vst v31  }
0xb4: {  	v45 =	vld [tilespmem:$0x4D0];
	v41 =	vmul.f32 $1.200000000e+01, v27;
	v40 =	vadd.f32 $-6.000000000e+00, v35;
	[tilespmem:$0x830] =	vst v34  }
0xb5: {  	v51 =	vld [tilespmem:$0x4F0];
	v44 =	vmul.f32 $1.200000000e+01, v30;
	v43 =	vadd.f32 $-6.000000000e+00, v38;
	[tilespmem:$0x840] =	vst v37  }
0xb6: {  	v48 =	vld [tilespmem:$0x4E0];
	v47 =	vmul.f32 $1.200000000e+01, v33;
	v46 =	vadd.f32 $-6.000000000e+00, v41;
	[tilespmem:$0x850] =	vst v40  }
0xb7: {  	v60 =	vld [tilespmem:$0x400];
	v50 =	vmul.f32 $1.200000000e+01, v36;
	v49 =	vadd.f32 $-6.000000000e+00, v44;
	[tilespmem:$0x860] =	vst v43  }
0xb8: {  	v53 =	vmul.f32 $1.200000000e+01, v39;
	v52 =	vadd.f32 $-6.000000000e+00, v47;
	[tilespmem:$0x870] =	vst v46  }
0xb9: {  	v63 =	vld [tilespmem:$0x410];
	v55 =	vmul.f32 $1.200000000e+01, v42;
	v54 =	vadd.f32 $-6.000000000e+00, v50;
	[tilespmem:$0x880] =	vst v49  }
0xba: {  	v57 =	vmul.f32 $1.200000000e+01, v45;
	v56 =	vadd.f32 $-6.000000000e+00, v53;
	[tilespmem:$0x890] =	vst v52  }
0xbb: {  	v58 =	vadd.f32 $-6.000000000e+00, v55;
	v59 =	vmul.f32 $1.200000000e+01, v48;
	[tilespmem:$0x8A0] =	vst v54  }
0xbc: {  	v61 =	vmul.f32 $1.200000000e+01, v51;
	v20 =	vmul.f32 $1.200000000e+01, v60;
	[tilespmem:$0x8B0] =	vst v56;
	v60 =	vadd.f32 $-6.000000000e+00, v57  }
0xbd: {  	[tilespmem:$0x8C0] =	vst v58;
	v62 =	vadd.f32 $-6.000000000e+00, v59  }
0xbe: {  	v23 =	vmul.f32 $1.200000000e+01, v63;
	v63 =	vadd.f32 $-6.000000000e+00, v61;
	[tilespmem:$0x8D0] =	vst v60  }
0xbf: {  	v25 =	vadd.f32 $-6.000000000e+00, v20;
	[tilespmem:$0x8E0] =	vst v62  }
0xc0: {  	v28 =	vadd.f32 $-6.000000000e+00, v23;
	[tilespmem:$0x8F0] =	vst v63  }
0xc1: {  	[tilespmem:$0x800] =	vst v25  }
0xc2: {  	s31 =	sadd.s32 $0x800, s3;
	[tilespmem:$0x810] =	vst v28  }
0xc3: {  	[hbm4b:s31+s1] =	stream.linear.scatter [tilespmem:s8], [sflag:$0x2], $0x400, $0x38;
	[tilespmem:$0x900] =	vst v63  }
0xc4: {  	_ =	swait.ge [sflag:s7], $0x400  }
0xc5: {  	[sflag:s7] =	ssyncset.done $0x0  }
0xc6: {  	[sflag:s7] =	ssyncadd.s32 $0xFFFFFC00  }
0xc7: {  	_ =	sfence.sel $0x180000  }
0xc8: {  	[bflag:$0x0] =	sbarrier.arrive $0xFFFF  }
0xc9: {  	_ =	strace $0x90000047  }
0xca: {  	s0 =	sadd.s32 $0x100000, s0;
	[bflag:$0x2] =	sbarrier.arrive $0xFFFF  }
0xcb: {  	[sflag:s0] =	ssyncadd.tile.s32 $0x1;
	_ =	shalt  }
.Lfunc_end2:
_tile_overlayer_lowered:
.L_overlay_start_2:
0xcc: {  	(tag) =	ssettag $0x2  }
0xcd: {  	s0 =	rddreg [dreg:$0x0];
	s2 =	stileid.u32  }
0xce: {  	s1 =	rddreg [dreg:$0x1];
	p0 =	sne.s32 s2, $0x0  }
0xcf: {  	s3 =	rddreg [dreg:$0x2];
	[bflag:$0x3] =	sbarrier.arrive $0xFFFF;
	s2 =	simm.s32 @!p0 $0x1C02  }
0xd0: {  	[timem:s3], [sflag:s2] =	dma.local @!p0 [hbm:s0], s1  }
0xd1: {  	s0 =	simm.s32 @!p0 $0x2  }
0xd2: {  	_ =	swait.ge @!p0 [sflag:s0], s1  }
0xd3: {  	s1 =	ssub.s32 @!p0 $0x0, s1;
	[sflag:s0] =	ssyncset.done @!p0 $0x0  }
0xd4: {  	[sflag:s0] =	ssyncadd.s32 @!p0 s1  }
0xd5: {  	[bflag:$0x3] =	sbarrier.arrive $0xFFFF  }
0xd6: {  	_ =	shalt  }

</sc_bundles>
